<compile_context>
chip_gen: v7x
topology: tpu7x:2x2x1
jax: 0.10.2.dev20260603
libtpu: 0.0.44.dev20260713+nightly
codegen_flags: <defaults>
</compile_context>

<pallas_src>
import functools

import jax
import jax.numpy as jnp
from jax import lax
from jax.experimental import pallas as pl
from jax.experimental.pallas import tpu as pltpu
from jax.experimental.pallas import tpu_sc as plsc

VOCAB = 1000000
SEQ = 200
DIM = 64
BATCH = 4096

NC = 2
NS = 16
NW = NC * NS
LANES = 16

BPW = BATCH // NW
SPLIT = 104
NBUF = 4
LEAD = 2


@functools.partial(
    pl.kernel,
    mesh=plsc.VectorSubcoreMesh(core_axis_name="c", subcore_axis_name="s"),
    out_type=jax.ShapeDtypeStruct((BATCH, SEQ, DIM), jnp.float32),
    compiler_params=pltpu.CompilerParams(use_tc_tiling_on_sc=False),
    scratch_types=[
        pltpu.VMEM((BPW, SEQ), jnp.int32),
        pltpu.VMEM((SEQ, DIM), jnp.float32),
        pltpu.VMEM((NBUF, SEQ, DIM), jnp.float32),
        pltpu.SemaphoreType.DMA((NBUF,)),
        pltpu.SemaphoreType.DMA((NBUF,)),
    ],
)
def _emb_kernel(idx_hbm, pos_hbm, table_hbm, out_hbm,
                idx_v, pos_v, rows_v, sem_g, sem_s):
    wid = lax.axis_index("s") * NC + lax.axis_index("c")
    row0 = wid * BPW

    pltpu.sync_copy(idx_hbm.at[pl.ds(row0, BPW)], idx_v)
    pltpu.sync_copy(pos_hbm, pos_v)

    def gather_copies(r, slot):
        return (
            pltpu.make_async_copy(
                table_hbm.at[idx_v.at[r, pl.ds(0, SPLIT)]],
                rows_v.at[slot, pl.ds(0, SPLIT)], sem_g.at[slot]),
            pltpu.make_async_copy(
                table_hbm.at[idx_v.at[r, pl.ds(SPLIT, SEQ - SPLIT)]],
                rows_v.at[slot, pl.ds(SPLIT, SEQ - SPLIT)], sem_g.at[slot]),
        )

    def store_copy(r, slot):
        return pltpu.make_async_copy(
            rows_v.at[slot], out_hbm.at[row0 + r], sem_s.at[slot])

    for r in range(LEAD):
        for c in gather_copies(r, r % NBUF):
            c.start()

    def row_body(i, carry):
        for b in range(NBUF):
            r = i * NBUF + b
            rf = r + LEAD
            slot_f = (b + LEAD) % NBUF

            @pl.when(rf < BPW)
            def _():
                @pl.when(rf >= NBUF)
                def _():
                    store_copy(rf - NBUF, slot_f).wait()
                for c in gather_copies(rf, slot_f):
                    c.start()

            for c in gather_copies(r, b):
                c.wait()

            def add_pos(j, inner):
                for v in range(DIM // LANES):
                    vec = pos_v[j, pl.ds(v * LANES, LANES)]
                    plsc.addupdate(rows_v.at[b, j, pl.ds(v * LANES, LANES)], vec)
                return inner

            lax.fori_loop(0, SEQ, add_pos, 0, unroll=4)
            store_copy(r, b).start()
        return carry

    lax.fori_loop(0, BPW // NBUF, row_body, 0)

    for b in range(NBUF):
        store_copy(BPW - NBUF + b, b).wait()


def kernel(inputs, word_table, pos_table):
    return _emb_kernel(inputs.astype(jnp.int32), pos_table, word_table)

# --- scband reference (transcript-rebuilt; emitter-appended) ---
"""Pipeline reference for scband-position-word-embedding-layer-13967233646736 (READ-ONLY COPY).

The authoritative reference and input builder live on the scoring server;
editing this copy changes nothing except your own understanding.
"""

import jax, jax.numpy as jnp
import numpy as np

VOCAB = 1000000
SEQ_LEN = 200
DIM = 64
BATCH = 4096

def setup_inputs(seed: int = 0) -> dict:
    key = jax.random.key(seed)
    k1, k2, k3 = jax.random.split(key, 3)
    inputs = jax.random.randint(k1, (BATCH, SEQ_LEN), 0, VOCAB, dtype=jnp.int64 if jax.config.jax_enable_x64 else jnp.int32)
    word_table = jax.random.normal(k2, (VOCAB, DIM), dtype=jnp.float32) * 0.02
    pos_table = jax.random.normal(k3, (SEQ_LEN, DIM), dtype=jnp.float32) * 0.02
    return {"inputs": inputs, "word_table": word_table, "pos_table": pos_table}

def reference(inputs, word_table, pos_table):
    # position indices = range over last dim of inputs
    seq_len = inputs.shape[-1]
    position_indices = jnp.arange(seq_len)
    embedded_words = jnp.take(word_table, inputs, axis=0)          # [B, S, D]
    embedded_indices = jnp.take(pos_table, position_indices, axis=0)  # [S, D]
    return embedded_words + embedded_indices[None, :, :]

if __name__ == "__main__":
    import jax
    _d = setup_inputs()
    print(jax.jit(kernel)(*tuple(_d.values())))

</pallas_src>

<mosaic_0001>
#map = affine_map<(d0, d1) -> (0, 0)>
#map1 = affine_map<(d0, d1) -> (0, 0, 0)>
module attributes {stable_mosaic.version = 14 : i64} {
  func.func @_emb_kernel(%arg0: i32, %arg1: i32, %arg2: memref<4096x200xi32, #tpu.memory_space<hbm>>, %arg3: memref<200x64xf32, #tpu.memory_space<hbm>>, %arg4: memref<1000000x64xf32, #tpu.memory_space<hbm>>, %arg5: memref<4096x200x64xf32, #tpu.memory_space<hbm>>, %arg6: memref<128x200xi32, #tpu.memory_space<vmem>>, %arg7: memref<200x64xf32, #tpu.memory_space<vmem>>, %arg8: memref<4x200x64xf32, #tpu.memory_space<vmem>>, %arg9: memref<4x!tpu.dma_semaphore, #tpu.memory_space<semaphore_mem>>, %arg10: memref<4x!tpu.dma_semaphore, #tpu.memory_space<semaphore_mem>>) attributes {dimension_semantics = [#tpu.dimension_semantics<core_parallel>, #tpu.dimension_semantics<subcore_parallel>], iteration_bounds = array<i64: 2, 16>, scalar_prefetch = 0 : i64, scratch_operands = 5 : i64, tpu.core_type = #tpu.core_type<sc_vector_subcore>, window_params = [{transform_indices = #map}, {transform_indices = #map}, {transform_indices = #map}, {transform_indices = #map1}]} {
    %mul3A = arith.constant 2 : i32
    %mul3A_0 = arith.muli %arg1, %mul3A : i32
    %add3A = arith.addi %mul3A_0, %arg0 : i32
    %mul3A_1 = arith.constant 128 : i32
    %mul3A_2 = arith.muli %add3A, %mul3A_1 : i32
    "tpu.region"() ({
      %run_scoped3A = tpu.sem_alloc : memref<!tpu.dma_semaphore, #tpu.memory_space<semaphore_mem>>
      %dma_start3A_154 = arith.constant 0 : i32
      %dma_start3A_155 = tpu.memref_slice %arg2[%mul3A_2, %dma_start3A_154] : memref<4096x200xi32, #tpu.memory_space<hbm>> -> memref<128x200xi32, #tpu.memory_space<hbm>>
      %dma_start3A_156 = arith.constant 0 : i32
      %dma_start3A_157 = tpu.memref_slice %arg2[%mul3A_2, %dma_start3A_156] : memref<4096x200xi32, #tpu.memory_space<hbm>> -> memref<128x200xi32, #tpu.memory_space<hbm>>
      tpu.enqueue_dma source(%dma_start3A_157 : memref<128x200xi32, #tpu.memory_space<hbm>>) target(%arg6 : memref<128x200xi32, #tpu.memory_space<vmem>>) target_semaphore(%run_scoped3A : memref<!tpu.dma_semaphore, #tpu.memory_space<semaphore_mem>>)
      %dma_wait3A_158 = arith.constant 0 : i32
      %dma_wait3A_159 = tpu.memref_slice %arg2[%mul3A_2, %dma_wait3A_158] : memref<4096x200xi32, #tpu.memory_space<hbm>> -> memref<128x200xi32, #tpu.memory_space<hbm>>
      %dma_wait3A_160 = arith.constant 0 : i32
      %dma_wait3A_161 = tpu.memref_slice %arg2[%mul3A_2, %dma_wait3A_160] : memref<4096x200xi32, #tpu.memory_space<hbm>> -> memref<128x200xi32, #tpu.memory_space<hbm>>
      tpu.wait_dma2 semaphore(%run_scoped3A : memref<!tpu.dma_semaphore, #tpu.memory_space<semaphore_mem>>) src(%dma_wait3A_161 : memref<128x200xi32, #tpu.memory_space<hbm>>) dst(%arg6 : memref<128x200xi32, #tpu.memory_space<vmem>>)
      tpu.yield
    }) : () -> ()
    "tpu.region"() ({
      %run_scoped3A = tpu.sem_alloc : memref<!tpu.dma_semaphore, #tpu.memory_space<semaphore_mem>>
      tpu.enqueue_dma source(%arg3 : memref<200x64xf32, #tpu.memory_space<hbm>>) target(%arg7 : memref<200x64xf32, #tpu.memory_space<vmem>>) target_semaphore(%run_scoped3A : memref<!tpu.dma_semaphore, #tpu.memory_space<semaphore_mem>>)
      tpu.wait_dma2 semaphore(%run_scoped3A : memref<!tpu.dma_semaphore, #tpu.memory_space<semaphore_mem>>) src(%arg3 : memref<200x64xf32, #tpu.memory_space<hbm>>) dst(%arg7 : memref<200x64xf32, #tpu.memory_space<vmem>>)
      tpu.yield
    }) : () -> ()
    %dma_start3A = arith.constant 0 : i32
    %dma_start3A_3 = arith.constant 0 : i32
    %dma_start3A_4 = arith.constant 0 : i32
    %dma_start3A_5 = arith.constant 0 : i32
    %dma_start3A_6 = arith.constant 0 : i32
    %dma_start3A_7 = tpu.memref_slice %arg8[%dma_start3A_3, %dma_start3A_5, %dma_start3A_6] : memref<4x200x64xf32, #tpu.memory_space<vmem>> -> memref<1x104x64xf32, #tpu.memory_space<vmem>>
    %dma_start3A_8 = tpu.memref_squeeze %dma_start3A_7 : memref<1x104x64xf32, #tpu.memory_space<vmem>> -> memref<104x64xf32, #tpu.memory_space<vmem>>
    %dma_start3A_9 = arith.constant 0 : i32
    %dma_start3A_10 = tpu.memref_slice %arg6[%dma_start3A, %dma_start3A_9] : memref<128x200xi32, #tpu.memory_space<vmem>> -> memref<1x104xi32, #tpu.memory_space<vmem>>
    %dma_start3A_11 = tpu.memref_squeeze %dma_start3A_10 : memref<1x104xi32, #tpu.memory_space<vmem>> -> memref<104xi32, #tpu.memory_space<vmem>>
    %dma_start3A_12 = arith.constant 0 : i32
    %dma_start3A_13 = arith.constant 0 : i32
    %dma_start3A_14 = tpu.memref_slice %arg4[%dma_start3A_12, %dma_start3A_13] : memref<1000000x64xf32, #tpu.memory_space<hbm>> -> memref<1000000x64xf32, #tpu.memory_space<hbm>>
    %dma_start3A_15 = tpu.memref_slice %arg9[%dma_start3A_4] : memref<4x!tpu.dma_semaphore, #tpu.memory_space<semaphore_mem>> -> memref<1x!tpu.dma_semaphore, #tpu.memory_space<semaphore_mem>>
    %dma_start3A_16 = tpu.memref_squeeze %dma_start3A_15 : memref<1x!tpu.dma_semaphore, #tpu.memory_space<semaphore_mem>> -> memref<!tpu.dma_semaphore, #tpu.memory_space<semaphore_mem>>
    tpu.enqueue_indirect_dma source(%dma_start3A_14 : memref<1000000x64xf32, #tpu.memory_space<hbm>>) target(%dma_start3A_8 : memref<104x64xf32, #tpu.memory_space<vmem>>) offsets(%dma_start3A_11 : memref<104xi32, #tpu.memory_space<vmem>>) semaphore(%dma_start3A_16 : memref<!tpu.dma_semaphore, #tpu.memory_space<semaphore_mem>>)
    %dma_start3A_17 = arith.constant 0 : i32
    %dma_start3A_18 = arith.constant 0 : i32
    %dma_start3A_19 = arith.constant 0 : i32
    %dma_start3A_20 = arith.constant 104 : i32
    %dma_start3A_21 = arith.constant 0 : i32
    %dma_start3A_22 = tpu.memref_slice %arg8[%dma_start3A_18, %dma_start3A_20, %dma_start3A_21] : memref<4x200x64xf32, #tpu.memory_space<vmem>> -> memref<1x96x64xf32, #tpu.memory_space<vmem>>
    %dma_start3A_23 = tpu.memref_squeeze %dma_start3A_22 : memref<1x96x64xf32, #tpu.memory_space<vmem>> -> memref<96x64xf32, #tpu.memory_space<vmem>>
    %dma_start3A_24 = arith.constant 104 : i32
    %dma_start3A_25 = tpu.memref_slice %arg6[%dma_start3A_17, %dma_start3A_24] : memref<128x200xi32, #tpu.memory_space<vmem>> -> memref<1x96xi32, #tpu.memory_space<vmem>>
    %dma_start3A_26 = tpu.memref_squeeze %dma_start3A_25 : memref<1x96xi32, #tpu.memory_space<vmem>> -> memref<96xi32, #tpu.memory_space<vmem>>
    %dma_start3A_27 = arith.constant 0 : i32
    %dma_start3A_28 = arith.constant 0 : i32
    %dma_start3A_29 = tpu.memref_slice %arg4[%dma_start3A_27, %dma_start3A_28] : memref<1000000x64xf32, #tpu.memory_space<hbm>> -> memref<1000000x64xf32, #tpu.memory_space<hbm>>
    %dma_start3A_30 = tpu.memref_slice %arg9[%dma_start3A_19] : memref<4x!tpu.dma_semaphore, #tpu.memory_space<semaphore_mem>> -> memref<1x!tpu.dma_semaphore, #tpu.memory_space<semaphore_mem>>
    %dma_start3A_31 = tpu.memref_squeeze %dma_start3A_30 : memref<1x!tpu.dma_semaphore, #tpu.memory_space<semaphore_mem>> -> memref<!tpu.dma_semaphore, #tpu.memory_space<semaphore_mem>>
    tpu.enqueue_indirect_dma source(%dma_start3A_29 : memref<1000000x64xf32, #tpu.memory_space<hbm>>) target(%dma_start3A_23 : memref<96x64xf32, #tpu.memory_space<vmem>>) offsets(%dma_start3A_26 : memref<96xi32, #tpu.memory_space<vmem>>) semaphore(%dma_start3A_31 : memref<!tpu.dma_semaphore, #tpu.memory_space<semaphore_mem>>)
    %dma_start3A_32 = arith.constant 1 : i32
    %dma_start3A_33 = arith.constant 1 : i32
    %dma_start3A_34 = arith.constant 1 : i32
    %dma_start3A_35 = arith.constant 0 : i32
    %dma_start3A_36 = arith.constant 0 : i32
    %dma_start3A_37 = tpu.memref_slice %arg8[%dma_start3A_33, %dma_start3A_35, %dma_start3A_36] : memref<4x200x64xf32, #tpu.memory_space<vmem>> -> memref<1x104x64xf32, #tpu.memory_space<vmem>>
    %dma_start3A_38 = tpu.memref_squeeze %dma_start3A_37 : memref<1x104x64xf32, #tpu.memory_space<vmem>> -> memref<104x64xf32, #tpu.memory_space<vmem>>
    %dma_start3A_39 = arith.constant 0 : i32
    %dma_start3A_40 = tpu.memref_slice %arg6[%dma_start3A_32, %dma_start3A_39] : memref<128x200xi32, #tpu.memory_space<vmem>> -> memref<1x104xi32, #tpu.memory_space<vmem>>
    %dma_start3A_41 = tpu.memref_squeeze %dma_start3A_40 : memref<1x104xi32, #tpu.memory_space<vmem>> -> memref<104xi32, #tpu.memory_space<vmem>>
    %dma_start3A_42 = arith.constant 0 : i32
    %dma_start3A_43 = arith.constant 0 : i32
    %dma_start3A_44 = tpu.memref_slice %arg4[%dma_start3A_42, %dma_start3A_43] : memref<1000000x64xf32, #tpu.memory_space<hbm>> -> memref<1000000x64xf32, #tpu.memory_space<hbm>>
    %dma_start3A_45 = tpu.memref_slice %arg9[%dma_start3A_34] : memref<4x!tpu.dma_semaphore, #tpu.memory_space<semaphore_mem>> -> memref<1x!tpu.dma_semaphore, #tpu.memory_space<semaphore_mem>>
    %dma_start3A_46 = tpu.memref_squeeze %dma_start3A_45 : memref<1x!tpu.dma_semaphore, #tpu.memory_space<semaphore_mem>> -> memref<!tpu.dma_semaphore, #tpu.memory_space<semaphore_mem>>
    tpu.enqueue_indirect_dma source(%dma_start3A_44 : memref<1000000x64xf32, #tpu.memory_space<hbm>>) target(%dma_start3A_38 : memref<104x64xf32, #tpu.memory_space<vmem>>) offsets(%dma_start3A_41 : memref<104xi32, #tpu.memory_space<vmem>>) semaphore(%dma_start3A_46 : memref<!tpu.dma_semaphore, #tpu.memory_space<semaphore_mem>>)
    %dma_start3A_47 = arith.constant 1 : i32
    %dma_start3A_48 = arith.constant 1 : i32
    %dma_start3A_49 = arith.constant 1 : i32
    %dma_start3A_50 = arith.constant 104 : i32
    %dma_start3A_51 = arith.constant 0 : i32
    %dma_start3A_52 = tpu.memref_slice %arg8[%dma_start3A_48, %dma_start3A_50, %dma_start3A_51] : memref<4x200x64xf32, #tpu.memory_space<vmem>> -> memref<1x96x64xf32, #tpu.memory_space<vmem>>
    %dma_start3A_53 = tpu.memref_squeeze %dma_start3A_52 : memref<1x96x64xf32, #tpu.memory_space<vmem>> -> memref<96x64xf32, #tpu.memory_space<vmem>>
    %dma_start3A_54 = arith.constant 104 : i32
    %dma_start3A_55 = tpu.memref_slice %arg6[%dma_start3A_47, %dma_start3A_54] : memref<128x200xi32, #tpu.memory_space<vmem>> -> memref<1x96xi32, #tpu.memory_space<vmem>>
    %dma_start3A_56 = tpu.memref_squeeze %dma_start3A_55 : memref<1x96xi32, #tpu.memory_space<vmem>> -> memref<96xi32, #tpu.memory_space<vmem>>
    %dma_start3A_57 = arith.constant 0 : i32
    %dma_start3A_58 = arith.constant 0 : i32
    %dma_start3A_59 = tpu.memref_slice %arg4[%dma_start3A_57, %dma_start3A_58] : memref<1000000x64xf32, #tpu.memory_space<hbm>> -> memref<1000000x64xf32, #tpu.memory_space<hbm>>
    %dma_start3A_60 = tpu.memref_slice %arg9[%dma_start3A_49] : memref<4x!tpu.dma_semaphore, #tpu.memory_space<semaphore_mem>> -> memref<1x!tpu.dma_semaphore, #tpu.memory_space<semaphore_mem>>
    %dma_start3A_61 = tpu.memref_squeeze %dma_start3A_60 : memref<1x!tpu.dma_semaphore, #tpu.memory_space<semaphore_mem>> -> memref<!tpu.dma_semaphore, #tpu.memory_space<semaphore_mem>>
    tpu.enqueue_indirect_dma source(%dma_start3A_59 : memref<1000000x64xf32, #tpu.memory_space<hbm>>) target(%dma_start3A_53 : memref<96x64xf32, #tpu.memory_space<vmem>>) offsets(%dma_start3A_56 : memref<96xi32, #tpu.memory_space<vmem>>) semaphore(%dma_start3A_61 : memref<!tpu.dma_semaphore, #tpu.memory_space<semaphore_mem>>)
    %scan3A = arith.constant 0 : i32
    %scan3A_62 = arith.constant 0 : i32
    %scan3A_63 = arith.constant 32 : i32
    %scan3A_64 = arith.addi %scan3A_62, %scan3A_63 : i32
    %scan3A_65 = arith.constant 1 : i32
    scf.for %scan3A_154 = %scan3A_62 to %scan3A_64 step %scan3A_65  : i32 {
      %mul3A_155 = arith.constant 4 : i32
      %mul3A_156 = arith.muli %scan3A_154, %mul3A_155 : i32
      %add3A_157 = arith.constant 0 : i32
      %add3A_158 = arith.addi %mul3A_156, %add3A_157 : i32
      %add3A_159 = arith.constant 2 : i32
      %add3A_160 = arith.addi %add3A_158, %add3A_159 : i32
      %lt3A = arith.constant 128 : i32
      %lt3A_161 = arith.cmpi slt, %add3A_160, %lt3A : i32
      %convert_element_type3A = arith.extui %lt3A_161 : i1 to i32
      %cond3A = arith.constant 0 : i32
      %cond3A_162 = arith.cmpi ne, %convert_element_type3A, %cond3A : i32
      scf.if %cond3A_162 {
        %ge3A = arith.constant 4 : i32
        %ge3A_416 = arith.cmpi sge, %add3A_160, %ge3A : i32
        %convert_element_type3A_417 = arith.extui %ge3A_416 : i1 to i32
        %cond3A_418 = arith.constant 0 : i32
        %cond3A_419 = arith.cmpi ne, %convert_element_type3A_417, %cond3A_418 : i32
        scf.if %cond3A_419 {
          %sub3A = arith.constant 4 : i32
          %sub3A_448 = arith.subi %add3A_160, %sub3A : i32
          %add3A_449 = arith.addi %mul3A_2, %sub3A_448 : i32
          %dma_wait3A_450 = arith.constant 2 : i32
          %dma_wait3A_451 = arith.constant 2 : i32
          %dma_wait3A_452 = arith.constant 0 : i32
          %dma_wait3A_453 = arith.constant 0 : i32
          %dma_wait3A_454 = tpu.memref_slice %arg8[%dma_wait3A_450, %dma_wait3A_452, %dma_wait3A_453] : memref<4x200x64xf32, #tpu.memory_space<vmem>> -> memref<1x200x64xf32, #tpu.memory_space<vmem>>
          %dma_wait3A_455 = tpu.memref_squeeze %dma_wait3A_454 : memref<1x200x64xf32, #tpu.memory_space<vmem>> -> memref<200x64xf32, #tpu.memory_space<vmem>>
          %dma_wait3A_456 = arith.constant 0 : i32
          %dma_wait3A_457 = arith.constant 0 : i32
          %dma_wait3A_458 = tpu.memref_slice %arg5[%add3A_449, %dma_wait3A_456, %dma_wait3A_457] : memref<4096x200x64xf32, #tpu.memory_space<hbm>> -> memref<1x200x64xf32, #tpu.memory_space<hbm>>
          %dma_wait3A_459 = tpu.memref_squeeze %dma_wait3A_458 : memref<1x200x64xf32, #tpu.memory_space<hbm>> -> memref<200x64xf32, #tpu.memory_space<hbm>>
          %dma_wait3A_460 = tpu.memref_slice %arg10[%dma_wait3A_451] : memref<4x!tpu.dma_semaphore, #tpu.memory_space<semaphore_mem>> -> memref<1x!tpu.dma_semaphore, #tpu.memory_space<semaphore_mem>>
          %dma_wait3A_461 = tpu.memref_squeeze %dma_wait3A_460 : memref<1x!tpu.dma_semaphore, #tpu.memory_space<semaphore_mem>> -> memref<!tpu.dma_semaphore, #tpu.memory_space<semaphore_mem>>
          %dma_wait3A_462 = arith.constant 0 : i32
          %dma_wait3A_463 = arith.constant 0 : i32
          %dma_wait3A_464 = tpu.memref_slice %arg5[%add3A_449, %dma_wait3A_462, %dma_wait3A_463] : memref<4096x200x64xf32, #tpu.memory_space<hbm>> -> memref<1x200x64xf32, #tpu.memory_space<hbm>>
          %dma_wait3A_465 = tpu.memref_squeeze %dma_wait3A_464 : memref<1x200x64xf32, #tpu.memory_space<hbm>> -> memref<200x64xf32, #tpu.memory_space<hbm>>
          %dma_wait3A_466 = arith.constant 0 : i32
          %dma_wait3A_467 = arith.constant 0 : i32
          %dma_wait3A_468 = tpu.memref_slice %arg8[%dma_wait3A_450, %dma_wait3A_466, %dma_wait3A_467] : memref<4x200x64xf32, #tpu.memory_space<vmem>> -> memref<1x200x64xf32, #tpu.memory_space<vmem>>
          %dma_wait3A_469 = tpu.memref_squeeze %dma_wait3A_468 : memref<1x200x64xf32, #tpu.memory_space<vmem>> -> memref<200x64xf32, #tpu.memory_space<vmem>>
          tpu.wait_dma2 semaphore(%dma_wait3A_461 : memref<!tpu.dma_semaphore, #tpu.memory_space<semaphore_mem>>) src(%dma_wait3A_469 : memref<200x64xf32, #tpu.memory_space<vmem>>) dst(%dma_wait3A_465 : memref<200x64xf32, #tpu.memory_space<hbm>>)
        } else {
        }
        %dma_start3A_420 = arith.constant 2 : i32
        %dma_start3A_421 = arith.constant 2 : i32
        %dma_start3A_422 = arith.constant 0 : i32
        %dma_start3A_423 = arith.constant 0 : i32
        %dma_start3A_424 = tpu.memref_slice %arg8[%dma_start3A_420, %dma_start3A_422, %dma_start3A_423] : memref<4x200x64xf32, #tpu.memory_space<vmem>> -> memref<1x104x64xf32, #tpu.memory_space<vmem>>
        %dma_start3A_425 = tpu.memref_squeeze %dma_start3A_424 : memref<1x104x64xf32, #tpu.memory_space<vmem>> -> memref<104x64xf32, #tpu.memory_space<vmem>>
        %dma_start3A_426 = arith.constant 0 : i32
        %dma_start3A_427 = tpu.memref_slice %arg6[%add3A_160, %dma_start3A_426] : memref<128x200xi32, #tpu.memory_space<vmem>> -> memref<1x104xi32, #tpu.memory_space<vmem>>
        %dma_start3A_428 = tpu.memref_squeeze %dma_start3A_427 : memref<1x104xi32, #tpu.memory_space<vmem>> -> memref<104xi32, #tpu.memory_space<vmem>>
        %dma_start3A_429 = arith.constant 0 : i32
        %dma_start3A_430 = arith.constant 0 : i32
        %dma_start3A_431 = tpu.memref_slice %arg4[%dma_start3A_429, %dma_start3A_430] : memref<1000000x64xf32, #tpu.memory_space<hbm>> -> memref<1000000x64xf32, #tpu.memory_space<hbm>>
        %dma_start3A_432 = tpu.memref_slice %arg9[%dma_start3A_421] : memref<4x!tpu.dma_semaphore, #tpu.memory_space<semaphore_mem>> -> memref<1x!tpu.dma_semaphore, #tpu.memory_space<semaphore_mem>>
        %dma_start3A_433 = tpu.memref_squeeze %dma_start3A_432 : memref<1x!tpu.dma_semaphore, #tpu.memory_space<semaphore_mem>> -> memref<!tpu.dma_semaphore, #tpu.memory_space<semaphore_mem>>
        tpu.enqueue_indirect_dma source(%dma_start3A_431 : memref<1000000x64xf32, #tpu.memory_space<hbm>>) target(%dma_start3A_425 : memref<104x64xf32, #tpu.memory_space<vmem>>) offsets(%dma_start3A_428 : memref<104xi32, #tpu.memory_space<vmem>>) semaphore(%dma_start3A_433 : memref<!tpu.dma_semaphore, #tpu.memory_space<semaphore_mem>>)
        %dma_start3A_434 = arith.constant 2 : i32
        %dma_start3A_435 = arith.constant 2 : i32
        %dma_start3A_436 = arith.constant 104 : i32
        %dma_start3A_437 = arith.constant 0 : i32
        %dma_start3A_438 = tpu.memref_slice %arg8[%dma_start3A_434, %dma_start3A_436, %dma_start3A_437] : memref<4x200x64xf32, #tpu.memory_space<vmem>> -> memref<1x96x64xf32, #tpu.memory_space<vmem>>
        %dma_start3A_439 = tpu.memref_squeeze %dma_start3A_438 : memref<1x96x64xf32, #tpu.memory_space<vmem>> -> memref<96x64xf32, #tpu.memory_space<vmem>>
        %dma_start3A_440 = arith.constant 104 : i32
        %dma_start3A_441 = tpu.memref_slice %arg6[%add3A_160, %dma_start3A_440] : memref<128x200xi32, #tpu.memory_space<vmem>> -> memref<1x96xi32, #tpu.memory_space<vmem>>
        %dma_start3A_442 = tpu.memref_squeeze %dma_start3A_441 : memref<1x96xi32, #tpu.memory_space<vmem>> -> memref<96xi32, #tpu.memory_space<vmem>>
        %dma_start3A_443 = arith.constant 0 : i32
        %dma_start3A_444 = arith.constant 0 : i32
        %dma_start3A_445 = tpu.memref_slice %arg4[%dma_start3A_443, %dma_start3A_444] : memref<1000000x64xf32, #tpu.memory_space<hbm>> -> memref<1000000x64xf32, #tpu.memory_space<hbm>>
        %dma_start3A_446 = tpu.memref_slice %arg9[%dma_start3A_435] : memref<4x!tpu.dma_semaphore, #tpu.memory_space<semaphore_mem>> -> memref<1x!tpu.dma_semaphore, #tpu.memory_space<semaphore_mem>>
        %dma_start3A_447 = tpu.memref_squeeze %dma_start3A_446 : memref<1x!tpu.dma_semaphore, #tpu.memory_space<semaphore_mem>> -> memref<!tpu.dma_semaphore, #tpu.memory_space<semaphore_mem>>
        tpu.enqueue_indirect_dma source(%dma_start3A_445 : memref<1000000x64xf32, #tpu.memory_space<hbm>>) target(%dma_start3A_439 : memref<96x64xf32, #tpu.memory_space<vmem>>) offsets(%dma_start3A_442 : memref<96xi32, #tpu.memory_space<vmem>>) semaphore(%dma_start3A_447 : memref<!tpu.dma_semaphore, #tpu.memory_space<semaphore_mem>>)
      } else {
      }
      %dma_wait3A_163 = arith.constant 0 : i32
      %dma_wait3A_164 = arith.constant 0 : i32
      %dma_wait3A_165 = arith.constant 0 : i32
      %dma_wait3A_166 = arith.constant 0 : i32
      %dma_wait3A_167 = tpu.memref_slice %arg8[%dma_wait3A_163, %dma_wait3A_165, %dma_wait3A_166] : memref<4x200x64xf32, #tpu.memory_space<vmem>> -> memref<1x104x64xf32, #tpu.memory_space<vmem>>
      %dma_wait3A_168 = tpu.memref_squeeze %dma_wait3A_167 : memref<1x104x64xf32, #tpu.memory_space<vmem>> -> memref<104x64xf32, #tpu.memory_space<vmem>>
      %dma_wait3A_169 = arith.constant 0 : i32
      %dma_wait3A_170 = tpu.memref_slice %arg6[%add3A_158, %dma_wait3A_169] : memref<128x200xi32, #tpu.memory_space<vmem>> -> memref<1x104xi32, #tpu.memory_space<vmem>>
      %dma_wait3A_171 = tpu.memref_squeeze %dma_wait3A_170 : memref<1x104xi32, #tpu.memory_space<vmem>> -> memref<104xi32, #tpu.memory_space<vmem>>
      %dma_wait3A_172 = arith.constant 0 : i32
      %dma_wait3A_173 = arith.constant 0 : i32
      %dma_wait3A_174 = tpu.memref_slice %arg4[%dma_wait3A_172, %dma_wait3A_173] : memref<1000000x64xf32, #tpu.memory_space<hbm>> -> memref<1000000x64xf32, #tpu.memory_space<hbm>>
      %dma_wait3A_175 = tpu.memref_slice %arg9[%dma_wait3A_164] : memref<4x!tpu.dma_semaphore, #tpu.memory_space<semaphore_mem>> -> memref<1x!tpu.dma_semaphore, #tpu.memory_space<semaphore_mem>>
      %dma_wait3A_176 = tpu.memref_squeeze %dma_wait3A_175 : memref<1x!tpu.dma_semaphore, #tpu.memory_space<semaphore_mem>> -> memref<!tpu.dma_semaphore, #tpu.memory_space<semaphore_mem>>
      tpu.wait_indirect_dma semaphore(%dma_wait3A_176 : memref<!tpu.dma_semaphore, #tpu.memory_space<semaphore_mem>>) src(%dma_wait3A_174 : memref<1000000x64xf32, #tpu.memory_space<hbm>>) dst(%dma_wait3A_168 : memref<104x64xf32, #tpu.memory_space<vmem>>)
      %dma_wait3A_177 = arith.constant 0 : i32
      %dma_wait3A_178 = arith.constant 0 : i32
      %dma_wait3A_179 = arith.constant 104 : i32
      %dma_wait3A_180 = arith.constant 0 : i32
      %dma_wait3A_181 = tpu.memref_slice %arg8[%dma_wait3A_177, %dma_wait3A_179, %dma_wait3A_180] : memref<4x200x64xf32, #tpu.memory_space<vmem>> -> memref<1x96x64xf32, #tpu.memory_space<vmem>>
      %dma_wait3A_182 = tpu.memref_squeeze %dma_wait3A_181 : memref<1x96x64xf32, #tpu.memory_space<vmem>> -> memref<96x64xf32, #tpu.memory_space<vmem>>
      %dma_wait3A_183 = arith.constant 104 : i32
      %dma_wait3A_184 = tpu.memref_slice %arg6[%add3A_158, %dma_wait3A_183] : memref<128x200xi32, #tpu.memory_space<vmem>> -> memref<1x96xi32, #tpu.memory_space<vmem>>
      %dma_wait3A_185 = tpu.memref_squeeze %dma_wait3A_184 : memref<1x96xi32, #tpu.memory_space<vmem>> -> memref<96xi32, #tpu.memory_space<vmem>>
      %dma_wait3A_186 = arith.constant 0 : i32
      %dma_wait3A_187 = arith.constant 0 : i32
      %dma_wait3A_188 = tpu.memref_slice %arg4[%dma_wait3A_186, %dma_wait3A_187] : memref<1000000x64xf32, #tpu.memory_space<hbm>> -> memref<1000000x64xf32, #tpu.memory_space<hbm>>
      %dma_wait3A_189 = tpu.memref_slice %arg9[%dma_wait3A_178] : memref<4x!tpu.dma_semaphore, #tpu.memory_space<semaphore_mem>> -> memref<1x!tpu.dma_semaphore, #tpu.memory_space<semaphore_mem>>
      %dma_wait3A_190 = tpu.memref_squeeze %dma_wait3A_189 : memref<1x!tpu.dma_semaphore, #tpu.memory_space<semaphore_mem>> -> memref<!tpu.dma_semaphore, #tpu.memory_space<semaphore_mem>>
      tpu.wait_indirect_dma semaphore(%dma_wait3A_190 : memref<!tpu.dma_semaphore, #tpu.memory_space<semaphore_mem>>) src(%dma_wait3A_188 : memref<1000000x64xf32, #tpu.memory_space<hbm>>) dst(%dma_wait3A_182 : memref<96x64xf32, #tpu.memory_space<vmem>>)
      %scan3A_191 = arith.constant 0 : i32
      %scan3A_192 = arith.constant 0 : i32
      %scan3A_193 = arith.constant 200 : i32
      %scan3A_194 = arith.addi %scan3A_192, %scan3A_193 : i32
      %scan3A_195 = arith.constant 4 : i32
      scf.for %scan3A_416 = %scan3A_192 to %scan3A_194 step %scan3A_195  : i32 {
        %get3A = arith.index_cast %scan3A_416 : i32 to index
        %get3A_417 = arith.constant 0 : index
        %get3A_418 = tpu.vector_load %arg7[%get3A, %get3A_417] {strides = array<i32>} : memref<200x64xf32, #tpu.memory_space<vmem>>, vector<1x16xf32>,
        %get3A_419 = vector.shape_cast %get3A_418 : vector<1x16xf32> to vector<16xf32>
        %swap3A = arith.constant 0 : i32
        %swap3A_420 = arith.index_cast %swap3A : i32 to index
        %swap3A_421 = arith.index_cast %scan3A_416 : i32 to index
        %swap3A_422 = arith.constant 0 : index
        %swap3A_423 = tpu.vector_load %arg8[%swap3A_420, %swap3A_421, %swap3A_422] {strides = array<i32>} : memref<4x200x64xf32, #tpu.memory_space<vmem>>, vector<1x1x16xf32>,
        %swap3A_424 = vector.shape_cast %swap3A_423 : vector<1x1x16xf32> to vector<16xf32>
        %swap3A_425 = vector.shape_cast %get3A_419 : vector<16xf32> to vector<1x1x16xf32>
        tpu.vector_store %arg8[%swap3A_420, %swap3A_421, %swap3A_422], %swap3A_425 {add = true, strides = array<i32>} : memref<4x200x64xf32, #tpu.memory_space<vmem>>, vector<1x1x16xf32>,
        %get3A_426 = arith.index_cast %scan3A_416 : i32 to index
        %get3A_427 = arith.constant 16 : index
        %get3A_428 = tpu.vector_load %arg7[%get3A_426, %get3A_427] {strides = array<i32>} : memref<200x64xf32, #tpu.memory_space<vmem>>, vector<1x16xf32>,
        %get3A_429 = vector.shape_cast %get3A_428 : vector<1x16xf32> to vector<16xf32>
        %swap3A_430 = arith.constant 0 : i32
        %swap3A_431 = arith.index_cast %swap3A_430 : i32 to index
        %swap3A_432 = arith.index_cast %scan3A_416 : i32 to index
        %swap3A_433 = arith.constant 16 : index
        %swap3A_434 = tpu.vector_load %arg8[%swap3A_431, %swap3A_432, %swap3A_433] {strides = array<i32>} : memref<4x200x64xf32, #tpu.memory_space<vmem>>, vector<1x1x16xf32>,
        %swap3A_435 = vector.shape_cast %swap3A_434 : vector<1x1x16xf32> to vector<16xf32>
        %swap3A_436 = vector.shape_cast %get3A_429 : vector<16xf32> to vector<1x1x16xf32>
        tpu.vector_store %arg8[%swap3A_431, %swap3A_432, %swap3A_433], %swap3A_436 {add = true, strides = array<i32>} : memref<4x200x64xf32, #tpu.memory_space<vmem>>, vector<1x1x16xf32>,
        %get3A_437 = arith.index_cast %scan3A_416 : i32 to index
        %get3A_438 = arith.constant 32 : index
        %get3A_439 = tpu.vector_load %arg7[%get3A_437, %get3A_438] {strides = array<i32>} : memref<200x64xf32, #tpu.memory_space<vmem>>, vector<1x16xf32>,
        %get3A_440 = vector.shape_cast %get3A_439 : vector<1x16xf32> to vector<16xf32>
        %swap3A_441 = arith.constant 0 : i32
        %swap3A_442 = arith.index_cast %swap3A_441 : i32 to index
        %swap3A_443 = arith.index_cast %scan3A_416 : i32 to index
        %swap3A_444 = arith.constant 32 : index
        %swap3A_445 = tpu.vector_load %arg8[%swap3A_442, %swap3A_443, %swap3A_444] {strides = array<i32>} : memref<4x200x64xf32, #tpu.memory_space<vmem>>, vector<1x1x16xf32>,
        %swap3A_446 = vector.shape_cast %swap3A_445 : vector<1x1x16xf32> to vector<16xf32>
        %swap3A_447 = vector.shape_cast %get3A_440 : vector<16xf32> to vector<1x1x16xf32>
        tpu.vector_store %arg8[%swap3A_442, %swap3A_443, %swap3A_444], %swap3A_447 {add = true, strides = array<i32>} : memref<4x200x64xf32, #tpu.memory_space<vmem>>, vector<1x1x16xf32>,
        %get3A_448 = arith.index_cast %scan3A_416 : i32 to index
        %get3A_449 = arith.constant 48 : index
        %get3A_450 = tpu.vector_load %arg7[%get3A_448, %get3A_449] {strides = array<i32>} : memref<200x64xf32, #tpu.memory_space<vmem>>, vector<1x16xf32>,
        %get3A_451 = vector.shape_cast %get3A_450 : vector<1x16xf32> to vector<16xf32>
        %swap3A_452 = arith.constant 0 : i32
        %swap3A_453 = arith.index_cast %swap3A_452 : i32 to index
        %swap3A_454 = arith.index_cast %scan3A_416 : i32 to index
        %swap3A_455 = arith.constant 48 : index
        %swap3A_456 = tpu.vector_load %arg8[%swap3A_453, %swap3A_454, %swap3A_455] {strides = array<i32>} : memref<4x200x64xf32, #tpu.memory_space<vmem>>, vector<1x1x16xf32>,
        %swap3A_457 = vector.shape_cast %swap3A_456 : vector<1x1x16xf32> to vector<16xf32>
        %swap3A_458 = vector.shape_cast %get3A_451 : vector<16xf32> to vector<1x1x16xf32>
        tpu.vector_store %arg8[%swap3A_453, %swap3A_454, %swap3A_455], %swap3A_458 {add = true, strides = array<i32>} : memref<4x200x64xf32, #tpu.memory_space<vmem>>, vector<1x1x16xf32>,
        %scan3A_459 = arith.constant 1 : i32
        %scan3A_460 = arith.addi %scan3A_416, %scan3A_459 : i32
        %get3A_461 = arith.index_cast %scan3A_460 : i32 to index
        %get3A_462 = arith.constant 0 : index
        %get3A_463 = tpu.vector_load %arg7[%get3A_461, %get3A_462] {strides = array<i32>} : memref<200x64xf32, #tpu.memory_space<vmem>>, vector<1x16xf32>,
        %get3A_464 = vector.shape_cast %get3A_463 : vector<1x16xf32> to vector<16xf32>
        %swap3A_465 = arith.constant 0 : i32
        %swap3A_466 = arith.index_cast %swap3A_465 : i32 to index
        %swap3A_467 = arith.index_cast %scan3A_460 : i32 to index
        %swap3A_468 = arith.constant 0 : index
        %swap3A_469 = tpu.vector_load %arg8[%swap3A_466, %swap3A_467, %swap3A_468] {strides = array<i32>} : memref<4x200x64xf32, #tpu.memory_space<vmem>>, vector<1x1x16xf32>,
        %swap3A_470 = vector.shape_cast %swap3A_469 : vector<1x1x16xf32> to vector<16xf32>
        %swap3A_471 = vector.shape_cast %get3A_464 : vector<16xf32> to vector<1x1x16xf32>
        tpu.vector_store %arg8[%swap3A_466, %swap3A_467, %swap3A_468], %swap3A_471 {add = true, strides = array<i32>} : memref<4x200x64xf32, #tpu.memory_space<vmem>>, vector<1x1x16xf32>,
        %get3A_472 = arith.index_cast %scan3A_460 : i32 to index
        %get3A_473 = arith.constant 16 : index
        %get3A_474 = tpu.vector_load %arg7[%get3A_472, %get3A_473] {strides = array<i32>} : memref<200x64xf32, #tpu.memory_space<vmem>>, vector<1x16xf32>,
        %get3A_475 = vector.shape_cast %get3A_474 : vector<1x16xf32> to vector<16xf32>
        %swap3A_476 = arith.constant 0 : i32
        %swap3A_477 = arith.index_cast %swap3A_476 : i32 to index
        %swap3A_478 = arith.index_cast %scan3A_460 : i32 to index
        %swap3A_479 = arith.constant 16 : index
        %swap3A_480 = tpu.vector_load %arg8[%swap3A_477, %swap3A_478, %swap3A_479] {strides = array<i32>} : memref<4x200x64xf32, #tpu.memory_space<vmem>>, vector<1x1x16xf32>,
        %swap3A_481 = vector.shape_cast %swap3A_480 : vector<1x1x16xf32> to vector<16xf32>
        %swap3A_482 = vector.shape_cast %get3A_475 : vector<16xf32> to vector<1x1x16xf32>
        tpu.vector_store %arg8[%swap3A_477, %swap3A_478, %swap3A_479], %swap3A_482 {add = true, strides = array<i32>} : memref<4x200x64xf32, #tpu.memory_space<vmem>>, vector<1x1x16xf32>,
        %get3A_483 = arith.index_cast %scan3A_460 : i32 to index
        %get3A_484 = arith.constant 32 : index
        %get3A_485 = tpu.vector_load %arg7[%get3A_483, %get3A_484] {strides = array<i32>} : memref<200x64xf32, #tpu.memory_space<vmem>>, vector<1x16xf32>,
        %get3A_486 = vector.shape_cast %get3A_485 : vector<1x16xf32> to vector<16xf32>
        %swap3A_487 = arith.constant 0 : i32
        %swap3A_488 = arith.index_cast %swap3A_487 : i32 to index
        %swap3A_489 = arith.index_cast %scan3A_460 : i32 to index
        %swap3A_490 = arith.constant 32 : index
        %swap3A_491 = tpu.vector_load %arg8[%swap3A_488, %swap3A_489, %swap3A_490] {strides = array<i32>} : memref<4x200x64xf32, #tpu.memory_space<vmem>>, vector<1x1x16xf32>,
        %swap3A_492 = vector.shape_cast %swap3A_491 : vector<1x1x16xf32> to vector<16xf32>
        %swap3A_493 = vector.shape_cast %get3A_486 : vector<16xf32> to vector<1x1x16xf32>
        tpu.vector_store %arg8[%swap3A_488, %swap3A_489, %swap3A_490], %swap3A_493 {add = true, strides = array<i32>} : memref<4x200x64xf32, #tpu.memory_space<vmem>>, vector<1x1x16xf32>,
        %get3A_494 = arith.index_cast %scan3A_460 : i32 to index
        %get3A_495 = arith.constant 48 : index
        %get3A_496 = tpu.vector_load %arg7[%get3A_494, %get3A_495] {strides = array<i32>} : memref<200x64xf32, #tpu.memory_space<vmem>>, vector<1x16xf32>,
        %get3A_497 = vector.shape_cast %get3A_496 : vector<1x16xf32> to vector<16xf32>
        %swap3A_498 = arith.constant 0 : i32
        %swap3A_499 = arith.index_cast %swap3A_498 : i32 to index
        %swap3A_500 = arith.index_cast %scan3A_460 : i32 to index
        %swap3A_501 = arith.constant 48 : index
        %swap3A_502 = tpu.vector_load %arg8[%swap3A_499, %swap3A_500, %swap3A_501] {strides = array<i32>} : memref<4x200x64xf32, #tpu.memory_space<vmem>>, vector<1x1x16xf32>,
        %swap3A_503 = vector.shape_cast %swap3A_502 : vector<1x1x16xf32> to vector<16xf32>
        %swap3A_504 = vector.shape_cast %get3A_497 : vector<16xf32> to vector<1x1x16xf32>
        tpu.vector_store %arg8[%swap3A_499, %swap3A_500, %swap3A_501], %swap3A_504 {add = true, strides = array<i32>} : memref<4x200x64xf32, #tpu.memory_space<vmem>>, vector<1x1x16xf32>,
        %scan3A_505 = arith.constant 2 : i32
        %scan3A_506 = arith.addi %scan3A_416, %scan3A_505 : i32
        %get3A_507 = arith.index_cast %scan3A_506 : i32 to index
        %get3A_508 = arith.constant 0 : index
        %get3A_509 = tpu.vector_load %arg7[%get3A_507, %get3A_508] {strides = array<i32>} : memref<200x64xf32, #tpu.memory_space<vmem>>, vector<1x16xf32>,
        %get3A_510 = vector.shape_cast %get3A_509 : vector<1x16xf32> to vector<16xf32>
        %swap3A_511 = arith.constant 0 : i32
        %swap3A_512 = arith.index_cast %swap3A_511 : i32 to index
        %swap3A_513 = arith.index_cast %scan3A_506 : i32 to index
        %swap3A_514 = arith.constant 0 : index
        %swap3A_515 = tpu.vector_load %arg8[%swap3A_512, %swap3A_513, %swap3A_514] {strides = array<i32>} : memref<4x200x64xf32, #tpu.memory_space<vmem>>, vector<1x1x16xf32>,
        %swap3A_516 = vector.shape_cast %swap3A_515 : vector<1x1x16xf32> to vector<16xf32>
        %swap3A_517 = vector.shape_cast %get3A_510 : vector<16xf32> to vector<1x1x16xf32>
        tpu.vector_store %arg8[%swap3A_512, %swap3A_513, %swap3A_514], %swap3A_517 {add = true, strides = array<i32>} : memref<4x200x64xf32, #tpu.memory_space<vmem>>, vector<1x1x16xf32>,
        %get3A_518 = arith.index_cast %scan3A_506 : i32 to index
        %get3A_519 = arith.constant 16 : index
        %get3A_520 = tpu.vector_load %arg7[%get3A_518, %get3A_519] {strides = array<i32>} : memref<200x64xf32, #tpu.memory_space<vmem>>, vector<1x16xf32>,
        %get3A_521 = vector.shape_cast %get3A_520 : vector<1x16xf32> to vector<16xf32>
        %swap3A_522 = arith.constant 0 : i32
        %swap3A_523 = arith.index_cast %swap3A_522 : i32 to index
        %swap3A_524 = arith.index_cast %scan3A_506 : i32 to index
        %swap3A_525 = arith.constant 16 : index
        %swap3A_526 = tpu.vector_load %arg8[%swap3A_523, %swap3A_524, %swap3A_525] {strides = array<i32>} : memref<4x200x64xf32, #tpu.memory_space<vmem>>, vector<1x1x16xf32>,
        %swap3A_527 = vector.shape_cast %swap3A_526 : vector<1x1x16xf32> to vector<16xf32>
        %swap3A_528 = vector.shape_cast %get3A_521 : vector<16xf32> to vector<1x1x16xf32>
        tpu.vector_store %arg8[%swap3A_523, %swap3A_524, %swap3A_525], %swap3A_528 {add = true, strides = array<i32>} : memref<4x200x64xf32, #tpu.memory_space<vmem>>, vector<1x1x16xf32>,
        %get3A_529 = arith.index_cast %scan3A_506 : i32 to index
        %get3A_530 = arith.constant 32 : index
        %get3A_531 = tpu.vector_load %arg7[%get3A_529, %get3A_530] {strides = array<i32>} : memref<200x64xf32, #tpu.memory_space<vmem>>, vector<1x16xf32>,
        %get3A_532 = vector.shape_cast %get3A_531 : vector<1x16xf32> to vector<16xf32>
        %swap3A_533 = arith.constant 0 : i32
        %swap3A_534 = arith.index_cast %swap3A_533 : i32 to index
        %swap3A_535 = arith.index_cast %scan3A_506 : i32 to index
        %swap3A_536 = arith.constant 32 : index
        %swap3A_537 = tpu.vector_load %arg8[%swap3A_534, %swap3A_535, %swap3A_536] {strides = array<i32>} : memref<4x200x64xf32, #tpu.memory_space<vmem>>, vector<1x1x16xf32>,
        %swap3A_538 = vector.shape_cast %swap3A_537 : vector<1x1x16xf32> to vector<16xf32>
        %swap3A_539 = vector.shape_cast %get3A_532 : vector<16xf32> to vector<1x1x16xf32>
        tpu.vector_store %arg8[%swap3A_534, %swap3A_535, %swap3A_536], %swap3A_539 {add = true, strides = array<i32>} : memref<4x200x64xf32, #tpu.memory_space<vmem>>, vector<1x1x16xf32>,
        %get3A_540 = arith.index_cast %scan3A_506 : i32 to index
        %get3A_541 = arith.constant 48 : index
        %get3A_542 = tpu.vector_load %arg7[%get3A_540, %get3A_541] {strides = array<i32>} : memref<200x64xf32, #tpu.memory_space<vmem>>, vector<1x16xf32>,
        %get3A_543 = vector.shape_cast %get3A_542 : vector<1x16xf32> to vector<16xf32>
        %swap3A_544 = arith.constant 0 : i32
        %swap3A_545 = arith.index_cast %swap3A_544 : i32 to index
        %swap3A_546 = arith.index_cast %scan3A_506 : i32 to index
        %swap3A_547 = arith.constant 48 : index
        %swap3A_548 = tpu.vector_load %arg8[%swap3A_545, %swap3A_546, %swap3A_547] {strides = array<i32>} : memref<4x200x64xf32, #tpu.memory_space<vmem>>, vector<1x1x16xf32>,
        %swap3A_549 = vector.shape_cast %swap3A_548 : vector<1x1x16xf32> to vector<16xf32>
        %swap3A_550 = vector.shape_cast %get3A_543 : vector<16xf32> to vector<1x1x16xf32>
        tpu.vector_store %arg8[%swap3A_545, %swap3A_546, %swap3A_547], %swap3A_550 {add = true, strides = array<i32>} : memref<4x200x64xf32, #tpu.memory_space<vmem>>, vector<1x1x16xf32>,
        %scan3A_551 = arith.constant 3 : i32
        %scan3A_552 = arith.addi %scan3A_416, %scan3A_551 : i32
        %get3A_553 = arith.index_cast %scan3A_552 : i32 to index
        %get3A_554 = arith.constant 0 : index
        %get3A_555 = tpu.vector_load %arg7[%get3A_553, %get3A_554] {strides = array<i32>} : memref<200x64xf32, #tpu.memory_space<vmem>>, vector<1x16xf32>,
        %get3A_556 = vector.shape_cast %get3A_555 : vector<1x16xf32> to vector<16xf32>
        %swap3A_557 = arith.constant 0 : i32
        %swap3A_558 = arith.index_cast %swap3A_557 : i32 to index
        %swap3A_559 = arith.index_cast %scan3A_552 : i32 to index
        %swap3A_560 = arith.constant 0 : index
        %swap3A_561 = tpu.vector_load %arg8[%swap3A_558, %swap3A_559, %swap3A_560] {strides = array<i32>} : memref<4x200x64xf32, #tpu.memory_space<vmem>>, vector<1x1x16xf32>,
        %swap3A_562 = vector.shape_cast %swap3A_561 : vector<1x1x16xf32> to vector<16xf32>
        %swap3A_563 = vector.shape_cast %get3A_556 : vector<16xf32> to vector<1x1x16xf32>
        tpu.vector_store %arg8[%swap3A_558, %swap3A_559, %swap3A_560], %swap3A_563 {add = true, strides = array<i32>} : memref<4x200x64xf32, #tpu.memory_space<vmem>>, vector<1x1x16xf32>,
        %get3A_564 = arith.index_cast %scan3A_552 : i32 to index
        %get3A_565 = arith.constant 16 : index
        %get3A_566 = tpu.vector_load %arg7[%get3A_564, %get3A_565] {strides = array<i32>} : memref<200x64xf32, #tpu.memory_space<vmem>>, vector<1x16xf32>,
        %get3A_567 = vector.shape_cast %get3A_566 : vector<1x16xf32> to vector<16xf32>
        %swap3A_568 = arith.constant 0 : i32
        %swap3A_569 = arith.index_cast %swap3A_568 : i32 to index
        %swap3A_570 = arith.index_cast %scan3A_552 : i32 to index
        %swap3A_571 = arith.constant 16 : index
        %swap3A_572 = tpu.vector_load %arg8[%swap3A_569, %swap3A_570, %swap3A_571] {strides = array<i32>} : memref<4x200x64xf32, #tpu.memory_space<vmem>>, vector<1x1x16xf32>,
        %swap3A_573 = vector.shape_cast %swap3A_572 : vector<1x1x16xf32> to vector<16xf32>
        %swap3A_574 = vector.shape_cast %get3A_567 : vector<16xf32> to vector<1x1x16xf32>
        tpu.vector_store %arg8[%swap3A_569, %swap3A_570, %swap3A_571], %swap3A_574 {add = true, strides = array<i32>} : memref<4x200x64xf32, #tpu.memory_space<vmem>>, vector<1x1x16xf32>,
        %get3A_575 = arith.index_cast %scan3A_552 : i32 to index
        %get3A_576 = arith.constant 32 : index
        %get3A_577 = tpu.vector_load %arg7[%get3A_575, %get3A_576] {strides = array<i32>} : memref<200x64xf32, #tpu.memory_space<vmem>>, vector<1x16xf32>,
        %get3A_578 = vector.shape_cast %get3A_577 : vector<1x16xf32> to vector<16xf32>
        %swap3A_579 = arith.constant 0 : i32
        %swap3A_580 = arith.index_cast %swap3A_579 : i32 to index
        %swap3A_581 = arith.index_cast %scan3A_552 : i32 to index
        %swap3A_582 = arith.constant 32 : index
        %swap3A_583 = tpu.vector_load %arg8[%swap3A_580, %swap3A_581, %swap3A_582] {strides = array<i32>} : memref<4x200x64xf32, #tpu.memory_space<vmem>>, vector<1x1x16xf32>,
        %swap3A_584 = vector.shape_cast %swap3A_583 : vector<1x1x16xf32> to vector<16xf32>
        %swap3A_585 = vector.shape_cast %get3A_578 : vector<16xf32> to vector<1x1x16xf32>
        tpu.vector_store %arg8[%swap3A_580, %swap3A_581, %swap3A_582], %swap3A_585 {add = true, strides = array<i32>} : memref<4x200x64xf32, #tpu.memory_space<vmem>>, vector<1x1x16xf32>,
        %get3A_586 = arith.index_cast %scan3A_552 : i32 to index
        %get3A_587 = arith.constant 48 : index
        %get3A_588 = tpu.vector_load %arg7[%get3A_586, %get3A_587] {strides = array<i32>} : memref<200x64xf32, #tpu.memory_space<vmem>>, vector<1x16xf32>,
        %get3A_589 = vector.shape_cast %get3A_588 : vector<1x16xf32> to vector<16xf32>
        %swap3A_590 = arith.constant 0 : i32
        %swap3A_591 = arith.index_cast %swap3A_590 : i32 to index
        %swap3A_592 = arith.index_cast %scan3A_552 : i32 to index
        %swap3A_593 = arith.constant 48 : index
        %swap3A_594 = tpu.vector_load %arg8[%swap3A_591, %swap3A_592, %swap3A_593] {strides = array<i32>} : memref<4x200x64xf32, #tpu.memory_space<vmem>>, vector<1x1x16xf32>,
        %swap3A_595 = vector.shape_cast %swap3A_594 : vector<1x1x16xf32> to vector<16xf32>
        %swap3A_596 = vector.shape_cast %get3A_589 : vector<16xf32> to vector<1x1x16xf32>
        tpu.vector_store %arg8[%swap3A_591, %swap3A_592, %swap3A_593], %swap3A_596 {add = true, strides = array<i32>} : memref<4x200x64xf32, #tpu.memory_space<vmem>>, vector<1x1x16xf32>,
      }
      %scan3A_196 = arith.constant 200 : i32
      %add3A_197 = arith.addi %mul3A_2, %add3A_158 : i32
      %dma_start3A_198 = arith.constant 0 : i32
      %dma_start3A_199 = arith.constant 0 : i32
      %dma_start3A_200 = arith.constant 0 : i32
      %dma_start3A_201 = arith.constant 0 : i32
      %dma_start3A_202 = tpu.memref_slice %arg8[%dma_start3A_198, %dma_start3A_200, %dma_start3A_201] : memref<4x200x64xf32, #tpu.memory_space<vmem>> -> memref<1x200x64xf32, #tpu.memory_space<vmem>>
      %dma_start3A_203 = tpu.memref_squeeze %dma_start3A_202 : memref<1x200x64xf32, #tpu.memory_space<vmem>> -> memref<200x64xf32, #tpu.memory_space<vmem>>
      %dma_start3A_204 = arith.constant 0 : i32
      %dma_start3A_205 = arith.constant 0 : i32
      %dma_start3A_206 = tpu.memref_slice %arg5[%add3A_197, %dma_start3A_204, %dma_start3A_205] : memref<4096x200x64xf32, #tpu.memory_space<hbm>> -> memref<1x200x64xf32, #tpu.memory_space<hbm>>
      %dma_start3A_207 = tpu.memref_squeeze %dma_start3A_206 : memref<1x200x64xf32, #tpu.memory_space<hbm>> -> memref<200x64xf32, #tpu.memory_space<hbm>>
      %dma_start3A_208 = tpu.memref_slice %arg10[%dma_start3A_199] : memref<4x!tpu.dma_semaphore, #tpu.memory_space<semaphore_mem>> -> memref<1x!tpu.dma_semaphore, #tpu.memory_space<semaphore_mem>>
      %dma_start3A_209 = tpu.memref_squeeze %dma_start3A_208 : memref<1x!tpu.dma_semaphore, #tpu.memory_space<semaphore_mem>> -> memref<!tpu.dma_semaphore, #tpu.memory_space<semaphore_mem>>
      %dma_start3A_210 = arith.constant 0 : i32
      %dma_start3A_211 = arith.constant 0 : i32
      %dma_start3A_212 = tpu.memref_slice %arg5[%add3A_197, %dma_start3A_210, %dma_start3A_211] : memref<4096x200x64xf32, #tpu.memory_space<hbm>> -> memref<1x200x64xf32, #tpu.memory_space<hbm>>
      %dma_start3A_213 = tpu.memref_squeeze %dma_start3A_212 : memref<1x200x64xf32, #tpu.memory_space<hbm>> -> memref<200x64xf32, #tpu.memory_space<hbm>>
      %dma_start3A_214 = arith.constant 0 : i32
      %dma_start3A_215 = arith.constant 0 : i32
      %dma_start3A_216 = tpu.memref_slice %arg8[%dma_start3A_198, %dma_start3A_214, %dma_start3A_215] : memref<4x200x64xf32, #tpu.memory_space<vmem>> -> memref<1x200x64xf32, #tpu.memory_space<vmem>>
      %dma_start3A_217 = tpu.memref_squeeze %dma_start3A_216 : memref<1x200x64xf32, #tpu.memory_space<vmem>> -> memref<200x64xf32, #tpu.memory_space<vmem>>
      tpu.enqueue_dma source(%dma_start3A_217 : memref<200x64xf32, #tpu.memory_space<vmem>>) target(%dma_start3A_213 : memref<200x64xf32, #tpu.memory_space<hbm>>) target_semaphore(%dma_start3A_209 : memref<!tpu.dma_semaphore, #tpu.memory_space<semaphore_mem>>)
      %mul3A_218 = arith.constant 4 : i32
      %mul3A_219 = arith.muli %scan3A_154, %mul3A_218 : i32
      %add3A_220 = arith.constant 1 : i32
      %add3A_221 = arith.addi %mul3A_219, %add3A_220 : i32
      %add3A_222 = arith.constant 2 : i32
      %add3A_223 = arith.addi %add3A_221, %add3A_222 : i32
      %lt3A_224 = arith.constant 128 : i32
      %lt3A_225 = arith.cmpi slt, %add3A_223, %lt3A_224 : i32
      %convert_element_type3A_226 = arith.extui %lt3A_225 : i1 to i32
      %cond3A_227 = arith.constant 0 : i32
      %cond3A_228 = arith.cmpi ne, %convert_element_type3A_226, %cond3A_227 : i32
      scf.if %cond3A_228 {
        %ge3A = arith.constant 4 : i32
        %ge3A_416 = arith.cmpi sge, %add3A_223, %ge3A : i32
        %convert_element_type3A_417 = arith.extui %ge3A_416 : i1 to i32
        %cond3A_418 = arith.constant 0 : i32
        %cond3A_419 = arith.cmpi ne, %convert_element_type3A_417, %cond3A_418 : i32
        scf.if %cond3A_419 {
          %sub3A = arith.constant 4 : i32
          %sub3A_448 = arith.subi %add3A_223, %sub3A : i32
          %add3A_449 = arith.addi %mul3A_2, %sub3A_448 : i32
          %dma_wait3A_450 = arith.constant 3 : i32
          %dma_wait3A_451 = arith.constant 3 : i32
          %dma_wait3A_452 = arith.constant 0 : i32
          %dma_wait3A_453 = arith.constant 0 : i32
          %dma_wait3A_454 = tpu.memref_slice %arg8[%dma_wait3A_450, %dma_wait3A_452, %dma_wait3A_453] : memref<4x200x64xf32, #tpu.memory_space<vmem>> -> memref<1x200x64xf32, #tpu.memory_space<vmem>>
          %dma_wait3A_455 = tpu.memref_squeeze %dma_wait3A_454 : memref<1x200x64xf32, #tpu.memory_space<vmem>> -> memref<200x64xf32, #tpu.memory_space<vmem>>
          %dma_wait3A_456 = arith.constant 0 : i32
          %dma_wait3A_457 = arith.constant 0 : i32
          %dma_wait3A_458 = tpu.memref_slice %arg5[%add3A_449, %dma_wait3A_456, %dma_wait3A_457] : memref<4096x200x64xf32, #tpu.memory_space<hbm>> -> memref<1x200x64xf32, #tpu.memory_space<hbm>>
          %dma_wait3A_459 = tpu.memref_squeeze %dma_wait3A_458 : memref<1x200x64xf32, #tpu.memory_space<hbm>> -> memref<200x64xf32, #tpu.memory_space<hbm>>
          %dma_wait3A_460 = tpu.memref_slice %arg10[%dma_wait3A_451] : memref<4x!tpu.dma_semaphore, #tpu.memory_space<semaphore_mem>> -> memref<1x!tpu.dma_semaphore, #tpu.memory_space<semaphore_mem>>
          %dma_wait3A_461 = tpu.memref_squeeze %dma_wait3A_460 : memref<1x!tpu.dma_semaphore, #tpu.memory_space<semaphore_mem>> -> memref<!tpu.dma_semaphore, #tpu.memory_space<semaphore_mem>>
          %dma_wait3A_462 = arith.constant 0 : i32
          %dma_wait3A_463 = arith.constant 0 : i32
          %dma_wait3A_464 = tpu.memref_slice %arg5[%add3A_449, %dma_wait3A_462, %dma_wait3A_463] : memref<4096x200x64xf32, #tpu.memory_space<hbm>> -> memref<1x200x64xf32, #tpu.memory_space<hbm>>
          %dma_wait3A_465 = tpu.memref_squeeze %dma_wait3A_464 : memref<1x200x64xf32, #tpu.memory_space<hbm>> -> memref<200x64xf32, #tpu.memory_space<hbm>>
          %dma_wait3A_466 = arith.constant 0 : i32
          %dma_wait3A_467 = arith.constant 0 : i32
          %dma_wait3A_468 = tpu.memref_slice %arg8[%dma_wait3A_450, %dma_wait3A_466, %dma_wait3A_467] : memref<4x200x64xf32, #tpu.memory_space<vmem>> -> memref<1x200x64xf32, #tpu.memory_space<vmem>>
          %dma_wait3A_469 = tpu.memref_squeeze %dma_wait3A_468 : memref<1x200x64xf32, #tpu.memory_space<vmem>> -> memref<200x64xf32, #tpu.memory_space<vmem>>
          tpu.wait_dma2 semaphore(%dma_wait3A_461 : memref<!tpu.dma_semaphore, #tpu.memory_space<semaphore_mem>>) src(%dma_wait3A_469 : memref<200x64xf32, #tpu.memory_space<vmem>>) dst(%dma_wait3A_465 : memref<200x64xf32, #tpu.memory_space<hbm>>)
        } else {
        }
        %dma_start3A_420 = arith.constant 3 : i32
        %dma_start3A_421 = arith.constant 3 : i32
        %dma_start3A_422 = arith.constant 0 : i32
        %dma_start3A_423 = arith.constant 0 : i32
        %dma_start3A_424 = tpu.memref_slice %arg8[%dma_start3A_420, %dma_start3A_422, %dma_start3A_423] : memref<4x200x64xf32, #tpu.memory_space<vmem>> -> memref<1x104x64xf32, #tpu.memory_space<vmem>>
        %dma_start3A_425 = tpu.memref_squeeze %dma_start3A_424 : memref<1x104x64xf32, #tpu.memory_space<vmem>> -> memref<104x64xf32, #tpu.memory_space<vmem>>
        %dma_start3A_426 = arith.constant 0 : i32
        %dma_start3A_427 = tpu.memref_slice %arg6[%add3A_223, %dma_start3A_426] : memref<128x200xi32, #tpu.memory_space<vmem>> -> memref<1x104xi32, #tpu.memory_space<vmem>>
        %dma_start3A_428 = tpu.memref_squeeze %dma_start3A_427 : memref<1x104xi32, #tpu.memory_space<vmem>> -> memref<104xi32, #tpu.memory_space<vmem>>
        %dma_start3A_429 = arith.constant 0 : i32
        %dma_start3A_430 = arith.constant 0 : i32
        %dma_start3A_431 = tpu.memref_slice %arg4[%dma_start3A_429, %dma_start3A_430] : memref<1000000x64xf32, #tpu.memory_space<hbm>> -> memref<1000000x64xf32, #tpu.memory_space<hbm>>
        %dma_start3A_432 = tpu.memref_slice %arg9[%dma_start3A_421] : memref<4x!tpu.dma_semaphore, #tpu.memory_space<semaphore_mem>> -> memref<1x!tpu.dma_semaphore, #tpu.memory_space<semaphore_mem>>
        %dma_start3A_433 = tpu.memref_squeeze %dma_start3A_432 : memref<1x!tpu.dma_semaphore, #tpu.memory_space<semaphore_mem>> -> memref<!tpu.dma_semaphore, #tpu.memory_space<semaphore_mem>>
        tpu.enqueue_indirect_dma source(%dma_start3A_431 : memref<1000000x64xf32, #tpu.memory_space<hbm>>) target(%dma_start3A_425 : memref<104x64xf32, #tpu.memory_space<vmem>>) offsets(%dma_start3A_428 : memref<104xi32, #tpu.memory_space<vmem>>) semaphore(%dma_start3A_433 : memref<!tpu.dma_semaphore, #tpu.memory_space<semaphore_mem>>)
        %dma_start3A_434 = arith.constant 3 : i32
        %dma_start3A_435 = arith.constant 3 : i32
        %dma_start3A_436 = arith.constant 104 : i32
        %dma_start3A_437 = arith.constant 0 : i32
        %dma_start3A_438 = tpu.memref_slice %arg8[%dma_start3A_434, %dma_start3A_436, %dma_start3A_437] : memref<4x200x64xf32, #tpu.memory_space<vmem>> -> memref<1x96x64xf32, #tpu.memory_space<vmem>>
        %dma_start3A_439 = tpu.memref_squeeze %dma_start3A_438 : memref<1x96x64xf32, #tpu.memory_space<vmem>> -> memref<96x64xf32, #tpu.memory_space<vmem>>
        %dma_start3A_440 = arith.constant 104 : i32
        %dma_start3A_441 = tpu.memref_slice %arg6[%add3A_223, %dma_start3A_440] : memref<128x200xi32, #tpu.memory_space<vmem>> -> memref<1x96xi32, #tpu.memory_space<vmem>>
        %dma_start3A_442 = tpu.memref_squeeze %dma_start3A_441 : memref<1x96xi32, #tpu.memory_space<vmem>> -> memref<96xi32, #tpu.memory_space<vmem>>
        %dma_start3A_443 = arith.constant 0 : i32
        %dma_start3A_444 = arith.constant 0 : i32
        %dma_start3A_445 = tpu.memref_slice %arg4[%dma_start3A_443, %dma_start3A_444] : memref<1000000x64xf32, #tpu.memory_space<hbm>> -> memref<1000000x64xf32, #tpu.memory_space<hbm>>
        %dma_start3A_446 = tpu.memref_slice %arg9[%dma_start3A_435] : memref<4x!tpu.dma_semaphore, #tpu.memory_space<semaphore_mem>> -> memref<1x!tpu.dma_semaphore, #tpu.memory_space<semaphore_mem>>
        %dma_start3A_447 = tpu.memref_squeeze %dma_start3A_446 : memref<1x!tpu.dma_semaphore, #tpu.memory_space<semaphore_mem>> -> memref<!tpu.dma_semaphore, #tpu.memory_space<semaphore_mem>>
        tpu.enqueue_indirect_dma source(%dma_start3A_445 : memref<1000000x64xf32, #tpu.memory_space<hbm>>) target(%dma_start3A_439 : memref<96x64xf32, #tpu.memory_space<vmem>>) offsets(%dma_start3A_442 : memref<96xi32, #tpu.memory_space<vmem>>) semaphore(%dma_start3A_447 : memref<!tpu.dma_semaphore, #tpu.memory_space<semaphore_mem>>)
      } else {
      }
      %dma_wait3A_229 = arith.constant 1 : i32
      %dma_wait3A_230 = arith.constant 1 : i32
      %dma_wait3A_231 = arith.constant 0 : i32
      %dma_wait3A_232 = arith.constant 0 : i32
      %dma_wait3A_233 = tpu.memref_slice %arg8[%dma_wait3A_229, %dma_wait3A_231, %dma_wait3A_232] : memref<4x200x64xf32, #tpu.memory_space<vmem>> -> memref<1x104x64xf32, #tpu.memory_space<vmem>>
      %dma_wait3A_234 = tpu.memref_squeeze %dma_wait3A_233 : memref<1x104x64xf32, #tpu.memory_space<vmem>> -> memref<104x64xf32, #tpu.memory_space<vmem>>
      %dma_wait3A_235 = arith.constant 0 : i32
      %dma_wait3A_236 = tpu.memref_slice %arg6[%add3A_221, %dma_wait3A_235] : memref<128x200xi32, #tpu.memory_space<vmem>> -> memref<1x104xi32, #tpu.memory_space<vmem>>
      %dma_wait3A_237 = tpu.memref_squeeze %dma_wait3A_236 : memref<1x104xi32, #tpu.memory_space<vmem>> -> memref<104xi32, #tpu.memory_space<vmem>>
      %dma_wait3A_238 = arith.constant 0 : i32
      %dma_wait3A_239 = arith.constant 0 : i32
      %dma_wait3A_240 = tpu.memref_slice %arg4[%dma_wait3A_238, %dma_wait3A_239] : memref<1000000x64xf32, #tpu.memory_space<hbm>> -> memref<1000000x64xf32, #tpu.memory_space<hbm>>
      %dma_wait3A_241 = tpu.memref_slice %arg9[%dma_wait3A_230] : memref<4x!tpu.dma_semaphore, #tpu.memory_space<semaphore_mem>> -> memref<1x!tpu.dma_semaphore, #tpu.memory_space<semaphore_mem>>
      %dma_wait3A_242 = tpu.memref_squeeze %dma_wait3A_241 : memref<1x!tpu.dma_semaphore, #tpu.memory_space<semaphore_mem>> -> memref<!tpu.dma_semaphore, #tpu.memory_space<semaphore_mem>>
      tpu.wait_indirect_dma semaphore(%dma_wait3A_242 : memref<!tpu.dma_semaphore, #tpu.memory_space<semaphore_mem>>) src(%dma_wait3A_240 : memref<1000000x64xf32, #tpu.memory_space<hbm>>) dst(%dma_wait3A_234 : memref<104x64xf32, #tpu.memory_space<vmem>>)
      %dma_wait3A_243 = arith.constant 1 : i32
      %dma_wait3A_244 = arith.constant 1 : i32
      %dma_wait3A_245 = arith.constant 104 : i32
      %dma_wait3A_246 = arith.constant 0 : i32
      %dma_wait3A_247 = tpu.memref_slice %arg8[%dma_wait3A_243, %dma_wait3A_245, %dma_wait3A_246] : memref<4x200x64xf32, #tpu.memory_space<vmem>> -> memref<1x96x64xf32, #tpu.memory_space<vmem>>
      %dma_wait3A_248 = tpu.memref_squeeze %dma_wait3A_247 : memref<1x96x64xf32, #tpu.memory_space<vmem>> -> memref<96x64xf32, #tpu.memory_space<vmem>>
      %dma_wait3A_249 = arith.constant 104 : i32
      %dma_wait3A_250 = tpu.memref_slice %arg6[%add3A_221, %dma_wait3A_249] : memref<128x200xi32, #tpu.memory_space<vmem>> -> memref<1x96xi32, #tpu.memory_space<vmem>>
      %dma_wait3A_251 = tpu.memref_squeeze %dma_wait3A_250 : memref<1x96xi32, #tpu.memory_space<vmem>> -> memref<96xi32, #tpu.memory_space<vmem>>
      %dma_wait3A_252 = arith.constant 0 : i32
      %dma_wait3A_253 = arith.constant 0 : i32
      %dma_wait3A_254 = tpu.memref_slice %arg4[%dma_wait3A_252, %dma_wait3A_253] : memref<1000000x64xf32, #tpu.memory_space<hbm>> -> memref<1000000x64xf32, #tpu.memory_space<hbm>>
      %dma_wait3A_255 = tpu.memref_slice %arg9[%dma_wait3A_244] : memref<4x!tpu.dma_semaphore, #tpu.memory_space<semaphore_mem>> -> memref<1x!tpu.dma_semaphore, #tpu.memory_space<semaphore_mem>>
      %dma_wait3A_256 = tpu.memref_squeeze %dma_wait3A_255 : memref<1x!tpu.dma_semaphore, #tpu.memory_space<semaphore_mem>> -> memref<!tpu.dma_semaphore, #tpu.memory_space<semaphore_mem>>
      tpu.wait_indirect_dma semaphore(%dma_wait3A_256 : memref<!tpu.dma_semaphore, #tpu.memory_space<semaphore_mem>>) src(%dma_wait3A_254 : memref<1000000x64xf32, #tpu.memory_space<hbm>>) dst(%dma_wait3A_248 : memref<96x64xf32, #tpu.memory_space<vmem>>)
      %scan3A_257 = arith.constant 0 : i32
      %scan3A_258 = arith.constant 0 : i32
      %scan3A_259 = arith.constant 200 : i32
      %scan3A_260 = arith.addi %scan3A_258, %scan3A_259 : i32
      %scan3A_261 = arith.constant 4 : i32
      scf.for %scan3A_416 = %scan3A_258 to %scan3A_260 step %scan3A_261  : i32 {
        %get3A = arith.index_cast %scan3A_416 : i32 to index
        %get3A_417 = arith.constant 0 : index
        %get3A_418 = tpu.vector_load %arg7[%get3A, %get3A_417] {strides = array<i32>} : memref<200x64xf32, #tpu.memory_space<vmem>>, vector<1x16xf32>,
        %get3A_419 = vector.shape_cast %get3A_418 : vector<1x16xf32> to vector<16xf32>
        %swap3A = arith.constant 1 : i32
        %swap3A_420 = arith.index_cast %swap3A : i32 to index
        %swap3A_421 = arith.index_cast %scan3A_416 : i32 to index
        %swap3A_422 = arith.constant 0 : index
        %swap3A_423 = tpu.vector_load %arg8[%swap3A_420, %swap3A_421, %swap3A_422] {strides = array<i32>} : memref<4x200x64xf32, #tpu.memory_space<vmem>>, vector<1x1x16xf32>,
        %swap3A_424 = vector.shape_cast %swap3A_423 : vector<1x1x16xf32> to vector<16xf32>
        %swap3A_425 = vector.shape_cast %get3A_419 : vector<16xf32> to vector<1x1x16xf32>
        tpu.vector_store %arg8[%swap3A_420, %swap3A_421, %swap3A_422], %swap3A_425 {add = true, strides = array<i32>} : memref<4x200x64xf32, #tpu.memory_space<vmem>>, vector<1x1x16xf32>,
        %get3A_426 = arith.index_cast %scan3A_416 : i32 to index
        %get3A_427 = arith.constant 16 : index
        %get3A_428 = tpu.vector_load %arg7[%get3A_426, %get3A_427] {strides = array<i32>} : memref<200x64xf32, #tpu.memory_space<vmem>>, vector<1x16xf32>,
        %get3A_429 = vector.shape_cast %get3A_428 : vector<1x16xf32> to vector<16xf32>
        %swap3A_430 = arith.constant 1 : i32
        %swap3A_431 = arith.index_cast %swap3A_430 : i32 to index
        %swap3A_432 = arith.index_cast %scan3A_416 : i32 to index
        %swap3A_433 = arith.constant 16 : index
        %swap3A_434 = tpu.vector_load %arg8[%swap3A_431, %swap3A_432, %swap3A_433] {strides = array<i32>} : memref<4x200x64xf32, #tpu.memory_space<vmem>>, vector<1x1x16xf32>,
        %swap3A_435 = vector.shape_cast %swap3A_434 : vector<1x1x16xf32> to vector<16xf32>
        %swap3A_436 = vector.shape_cast %get3A_429 : vector<16xf32> to vector<1x1x16xf32>
        tpu.vector_store %arg8[%swap3A_431, %swap3A_432, %swap3A_433], %swap3A_436 {add = true, strides = array<i32>} : memref<4x200x64xf32, #tpu.memory_space<vmem>>, vector<1x1x16xf32>,
        %get3A_437 = arith.index_cast %scan3A_416 : i32 to index
        %get3A_438 = arith.constant 32 : index
        %get3A_439 = tpu.vector_load %arg7[%get3A_437, %get3A_438] {strides = array<i32>} : memref<200x64xf32, #tpu.memory_space<vmem>>, vector<1x16xf32>,
        %get3A_440 = vector.shape_cast %get3A_439 : vector<1x16xf32> to vector<16xf32>
        %swap3A_441 = arith.constant 1 : i32
        %swap3A_442 = arith.index_cast %swap3A_441 : i32 to index
        %swap3A_443 = arith.index_cast %scan3A_416 : i32 to index
        %swap3A_444 = arith.constant 32 : index
        %swap3A_445 = tpu.vector_load %arg8[%swap3A_442, %swap3A_443, %swap3A_444] {strides = array<i32>} : memref<4x200x64xf32, #tpu.memory_space<vmem>>, vector<1x1x16xf32>,
        %swap3A_446 = vector.shape_cast %swap3A_445 : vector<1x1x16xf32> to vector<16xf32>
        %swap3A_447 = vector.shape_cast %get3A_440 : vector<16xf32> to vector<1x1x16xf32>
        tpu.vector_store %arg8[%swap3A_442, %swap3A_443, %swap3A_444], %swap3A_447 {add = true, strides = array<i32>} : memref<4x200x64xf32, #tpu.memory_space<vmem>>, vector<1x1x16xf32>,
        %get3A_448 = arith.index_cast %scan3A_416 : i32 to index
        %get3A_449 = arith.constant 48 : index
        %get3A_450 = tpu.vector_load %arg7[%get3A_448, %get3A_449] {strides = array<i32>} : memref<200x64xf32, #tpu.memory_space<vmem>>, vector<1x16xf32>,
        %get3A_451 = vector.shape_cast %get3A_450 : vector<1x16xf32> to vector<16xf32>
        %swap3A_452 = arith.constant 1 : i32
        %swap3A_453 = arith.index_cast %swap3A_452 : i32 to index
        %swap3A_454 = arith.index_cast %scan3A_416 : i32 to index
        %swap3A_455 = arith.constant 48 : index
        %swap3A_456 = tpu.vector_load %arg8[%swap3A_453, %swap3A_454, %swap3A_455] {strides = array<i32>} : memref<4x200x64xf32, #tpu.memory_space<vmem>>, vector<1x1x16xf32>,
        %swap3A_457 = vector.shape_cast %swap3A_456 : vector<1x1x16xf32> to vector<16xf32>
        %swap3A_458 = vector.shape_cast %get3A_451 : vector<16xf32> to vector<1x1x16xf32>
        tpu.vector_store %arg8[%swap3A_453, %swap3A_454, %swap3A_455], %swap3A_458 {add = true, strides = array<i32>} : memref<4x200x64xf32, #tpu.memory_space<vmem>>, vector<1x1x16xf32>,
        %scan3A_459 = arith.constant 1 : i32
        %scan3A_460 = arith.addi %scan3A_416, %scan3A_459 : i32
        %get3A_461 = arith.index_cast %scan3A_460 : i32 to index
        %get3A_462 = arith.constant 0 : index
        %get3A_463 = tpu.vector_load %arg7[%get3A_461, %get3A_462] {strides = array<i32>} : memref<200x64xf32, #tpu.memory_space<vmem>>, vector<1x16xf32>,
        %get3A_464 = vector.shape_cast %get3A_463 : vector<1x16xf32> to vector<16xf32>
        %swap3A_465 = arith.constant 1 : i32
        %swap3A_466 = arith.index_cast %swap3A_465 : i32 to index
        %swap3A_467 = arith.index_cast %scan3A_460 : i32 to index
        %swap3A_468 = arith.constant 0 : index
        %swap3A_469 = tpu.vector_load %arg8[%swap3A_466, %swap3A_467, %swap3A_468] {strides = array<i32>} : memref<4x200x64xf32, #tpu.memory_space<vmem>>, vector<1x1x16xf32>,
        %swap3A_470 = vector.shape_cast %swap3A_469 : vector<1x1x16xf32> to vector<16xf32>
        %swap3A_471 = vector.shape_cast %get3A_464 : vector<16xf32> to vector<1x1x16xf32>
        tpu.vector_store %arg8[%swap3A_466, %swap3A_467, %swap3A_468], %swap3A_471 {add = true, strides = array<i32>} : memref<4x200x64xf32, #tpu.memory_space<vmem>>, vector<1x1x16xf32>,
        %get3A_472 = arith.index_cast %scan3A_460 : i32 to index
        %get3A_473 = arith.constant 16 : index
        %get3A_474 = tpu.vector_load %arg7[%get3A_472, %get3A_473] {strides = array<i32>} : memref<200x64xf32, #tpu.memory_space<vmem>>, vector<1x16xf32>,
        %get3A_475 = vector.shape_cast %get3A_474 : vector<1x16xf32> to vector<16xf32>
        %swap3A_476 = arith.constant 1 : i32
        %swap3A_477 = arith.index_cast %swap3A_476 : i32 to index
        %swap3A_478 = arith.index_cast %scan3A_460 : i32 to index
        %swap3A_479 = arith.constant 16 : index
        %swap3A_480 = tpu.vector_load %arg8[%swap3A_477, %swap3A_478, %swap3A_479] {strides = array<i32>} : memref<4x200x64xf32, #tpu.memory_space<vmem>>, vector<1x1x16xf32>,
        %swap3A_481 = vector.shape_cast %swap3A_480 : vector<1x1x16xf32> to vector<16xf32>
        %swap3A_482 = vector.shape_cast %get3A_475 : vector<16xf32> to vector<1x1x16xf32>
        tpu.vector_store %arg8[%swap3A_477, %swap3A_478, %swap3A_479], %swap3A_482 {add = true, strides = array<i32>} : memref<4x200x64xf32, #tpu.memory_space<vmem>>, vector<1x1x16xf32>,
        %get3A_483 = arith.index_cast %scan3A_460 : i32 to index
        %get3A_484 = arith.constant 32 : index
        %get3A_485 = tpu.vector_load %arg7[%get3A_483, %get3A_484] {strides = array<i32>} : memref<200x64xf32, #tpu.memory_space<vmem>>, vector<1x16xf32>,
        %get3A_486 = vector.shape_cast %get3A_485 : vector<1x16xf32> to vector<16xf32>
        %swap3A_487 = arith.constant 1 : i32
        %swap3A_488 = arith.index_cast %swap3A_487 : i32 to index
        %swap3A_489 = arith.index_cast %scan3A_460 : i32 to index
        %swap3A_490 = arith.constant 32 : index
        %swap3A_491 = tpu.vector_load %arg8[%swap3A_488, %swap3A_489, %swap3A_490] {strides = array<i32>} : memref<4x200x64xf32, #tpu.memory_space<vmem>>, vector<1x1x16xf32>,
        %swap3A_492 = vector.shape_cast %swap3A_491 : vector<1x1x16xf32> to vector<16xf32>
        %swap3A_493 = vector.shape_cast %get3A_486 : vector<16xf32> to vector<1x1x16xf32>
        tpu.vector_store %arg8[%swap3A_488, %swap3A_489, %swap3A_490], %swap3A_493 {add = true, strides = array<i32>} : memref<4x200x64xf32, #tpu.memory_space<vmem>>, vector<1x1x16xf32>,
        %get3A_494 = arith.index_cast %scan3A_460 : i32 to index
        %get3A_495 = arith.constant 48 : index
        %get3A_496 = tpu.vector_load %arg7[%get3A_494, %get3A_495] {strides = array<i32>} : memref<200x64xf32, #tpu.memory_space<vmem>>, vector<1x16xf32>,
        %get3A_497 = vector.shape_cast %get3A_496 : vector<1x16xf32> to vector<16xf32>
        %swap3A_498 = arith.constant 1 : i32
        %swap3A_499 = arith.index_cast %swap3A_498 : i32 to index
        %swap3A_500 = arith.index_cast %scan3A_460 : i32 to index
        %swap3A_501 = arith.constant 48 : index
        %swap3A_502 = tpu.vector_load %arg8[%swap3A_499, %swap3A_500, %swap3A_501] {strides = array<i32>} : memref<4x200x64xf32, #tpu.memory_space<vmem>>, vector<1x1x16xf32>,
        %swap3A_503 = vector.shape_cast %swap3A_502 : vector<1x1x16xf32> to vector<16xf32>
        %swap3A_504 = vector.shape_cast %get3A_497 : vector<16xf32> to vector<1x1x16xf32>
        tpu.vector_store %arg8[%swap3A_499, %swap3A_500, %swap3A_501], %swap3A_504 {add = true, strides = array<i32>} : memref<4x200x64xf32, #tpu.memory_space<vmem>>, vector<1x1x16xf32>,
        %scan3A_505 = arith.constant 2 : i32
        %scan3A_506 = arith.addi %scan3A_416, %scan3A_505 : i32
        %get3A_507 = arith.index_cast %scan3A_506 : i32 to index
        %get3A_508 = arith.constant 0 : index
        %get3A_509 = tpu.vector_load %arg7[%get3A_507, %get3A_508] {strides = array<i32>} : memref<200x64xf32, #tpu.memory_space<vmem>>, vector<1x16xf32>,
        %get3A_510 = vector.shape_cast %get3A_509 : vector<1x16xf32> to vector<16xf32>
        %swap3A_511 = arith.constant 1 : i32
        %swap3A_512 = arith.index_cast %swap3A_511 : i32 to index
        %swap3A_513 = arith.index_cast %scan3A_506 : i32 to index
        %swap3A_514 = arith.constant 0 : index
        %swap3A_515 = tpu.vector_load %arg8[%swap3A_512, %swap3A_513, %swap3A_514] {strides = array<i32>} : memref<4x200x64xf32, #tpu.memory_space<vmem>>, vector<1x1x16xf32>,
        %swap3A_516 = vector.shape_cast %swap3A_515 : vector<1x1x16xf32> to vector<16xf32>
        %swap3A_517 = vector.shape_cast %get3A_510 : vector<16xf32> to vector<1x1x16xf32>
        tpu.vector_store %arg8[%swap3A_512, %swap3A_513, %swap3A_514], %swap3A_517 {add = true, strides = array<i32>} : memref<4x200x64xf32, #tpu.memory_space<vmem>>, vector<1x1x16xf32>,
        %get3A_518 = arith.index_cast %scan3A_506 : i32 to index
        %get3A_519 = arith.constant 16 : index
        %get3A_520 = tpu.vector_load %arg7[%get3A_518, %get3A_519] {strides = array<i32>} : memref<200x64xf32, #tpu.memory_space<vmem>>, vector<1x16xf32>,
        %get3A_521 = vector.shape_cast %get3A_520 : vector<1x16xf32> to vector<16xf32>
        %swap3A_522 = arith.constant 1 : i32
        %swap3A_523 = arith.index_cast %swap3A_522 : i32 to index
        %swap3A_524 = arith.index_cast %scan3A_506 : i32 to index
        %swap3A_525 = arith.constant 16 : index
        %swap3A_526 = tpu.vector_load %arg8[%swap3A_523, %swap3A_524, %swap3A_525] {strides = array<i32>} : memref<4x200x64xf32, #tpu.memory_space<vmem>>, vector<1x1x16xf32>,
        %swap3A_527 = vector.shape_cast %swap3A_526 : vector<1x1x16xf32> to vector<16xf32>
        %swap3A_528 = vector.shape_cast %get3A_521 : vector<16xf32> to vector<1x1x16xf32>
        tpu.vector_store %arg8[%swap3A_523, %swap3A_524, %swap3A_525], %swap3A_528 {add = true, strides = array<i32>} : memref<4x200x64xf32, #tpu.memory_space<vmem>>, vector<1x1x16xf32>,
        %get3A_529 = arith.index_cast %scan3A_506 : i32 to index
        %get3A_530 = arith.constant 32 : index
        %get3A_531 = tpu.vector_load %arg7[%get3A_529, %get3A_530] {strides = array<i32>} : memref<200x64xf32, #tpu.memory_space<vmem>>, vector<1x16xf32>,
        %get3A_532 = vector.shape_cast %get3A_531 : vector<1x16xf32> to vector<16xf32>
        %swap3A_533 = arith.constant 1 : i32
        %swap3A_534 = arith.index_cast %swap3A_533 : i32 to index
        %swap3A_535 = arith.index_cast %scan3A_506 : i32 to index
        %swap3A_536 = arith.constant 32 : index
        %swap3A_537 = tpu.vector_load %arg8[%swap3A_534, %swap3A_535, %swap3A_536] {strides = array<i32>} : memref<4x200x64xf32, #tpu.memory_space<vmem>>, vector<1x1x16xf32>,
        %swap3A_538 = vector.shape_cast %swap3A_537 : vector<1x1x16xf32> to vector<16xf32>
        %swap3A_539 = vector.shape_cast %get3A_532 : vector<16xf32> to vector<1x1x16xf32>
        tpu.vector_store %arg8[%swap3A_534, %swap3A_535, %swap3A_536], %swap3A_539 {add = true, strides = array<i32>} : memref<4x200x64xf32, #tpu.memory_space<vmem>>, vector<1x1x16xf32>,
        %get3A_540 = arith.index_cast %scan3A_506 : i32 to index
        %get3A_541 = arith.constant 48 : index
        %get3A_542 = tpu.vector_load %arg7[%get3A_540, %get3A_541] {strides = array<i32>} : memref<200x64xf32, #tpu.memory_space<vmem>>, vector<1x16xf32>,
        %get3A_543 = vector.shape_cast %get3A_542 : vector<1x16xf32> to vector<16xf32>
        %swap3A_544 = arith.constant 1 : i32
        %swap3A_545 = arith.index_cast %swap3A_544 : i32 to index
        %swap3A_546 = arith.index_cast %scan3A_506 : i32 to index
        %swap3A_547 = arith.constant 48 : index
        %swap3A_548 = tpu.vector_load %arg8[%swap3A_545, %swap3A_546, %swap3A_547] {strides = array<i32>} : memref<4x200x64xf32, #tpu.memory_space<vmem>>, vector<1x1x16xf32>,
        %swap3A_549 = vector.shape_cast %swap3A_548 : vector<1x1x16xf32> to vector<16xf32>
        %swap3A_550 = vector.shape_cast %get3A_543 : vector<16xf32> to vector<1x1x16xf32>
        tpu.vector_store %arg8[%swap3A_545, %swap3A_546, %swap3A_547], %swap3A_550 {add = true, strides = array<i32>} : memref<4x200x64xf32, #tpu.memory_space<vmem>>, vector<1x1x16xf32>,
        %scan3A_551 = arith.constant 3 : i32
        %scan3A_552 = arith.addi %scan3A_416, %scan3A_551 : i32
        %get3A_553 = arith.index_cast %scan3A_552 : i32 to index
        %get3A_554 = arith.constant 0 : index
        %get3A_555 = tpu.vector_load %arg7[%get3A_553, %get3A_554] {strides = array<i32>} : memref<200x64xf32, #tpu.memory_space<vmem>>, vector<1x16xf32>,
        %get3A_556 = vector.shape_cast %get3A_555 : vector<1x16xf32> to vector<16xf32>
        %swap3A_557 = arith.constant 1 : i32
        %swap3A_558 = arith.index_cast %swap3A_557 : i32 to index
        %swap3A_559 = arith.index_cast %scan3A_552 : i32 to index
        %swap3A_560 = arith.constant 0 : index
        %swap3A_561 = tpu.vector_load %arg8[%swap3A_558, %swap3A_559, %swap3A_560] {strides = array<i32>} : memref<4x200x64xf32, #tpu.memory_space<vmem>>, vector<1x1x16xf32>,
        %swap3A_562 = vector.shape_cast %swap3A_561 : vector<1x1x16xf32> to vector<16xf32>
        %swap3A_563 = vector.shape_cast %get3A_556 : vector<16xf32> to vector<1x1x16xf32>
        tpu.vector_store %arg8[%swap3A_558, %swap3A_559, %swap3A_560], %swap3A_563 {add = true, strides = array<i32>} : memref<4x200x64xf32, #tpu.memory_space<vmem>>, vector<1x1x16xf32>,
        %get3A_564 = arith.index_cast %scan3A_552 : i32 to index
        %get3A_565 = arith.constant 16 : index
        %get3A_566 = tpu.vector_load %arg7[%get3A_564, %get3A_565] {strides = array<i32>} : memref<200x64xf32, #tpu.memory_space<vmem>>, vector<1x16xf32>,
        %get3A_567 = vector.shape_cast %get3A_566 : vector<1x16xf32> to vector<16xf32>
        %swap3A_568 = arith.constant 1 : i32
        %swap3A_569 = arith.index_cast %swap3A_568 : i32 to index
        %swap3A_570 = arith.index_cast %scan3A_552 : i32 to index
        %swap3A_571 = arith.constant 16 : index
        %swap3A_572 = tpu.vector_load %arg8[%swap3A_569, %swap3A_570, %swap3A_571] {strides = array<i32>} : memref<4x200x64xf32, #tpu.memory_space<vmem>>, vector<1x1x16xf32>,
        %swap3A_573 = vector.shape_cast %swap3A_572 : vector<1x1x16xf32> to vector<16xf32>
        %swap3A_574 = vector.shape_cast %get3A_567 : vector<16xf32> to vector<1x1x16xf32>
        tpu.vector_store %arg8[%swap3A_569, %swap3A_570, %swap3A_571], %swap3A_574 {add = true, strides = array<i32>} : memref<4x200x64xf32, #tpu.memory_space<vmem>>, vector<1x1x16xf32>,
        %get3A_575 = arith.index_cast %scan3A_552 : i32 to index
        %get3A_576 = arith.constant 32 : index
        %get3A_577 = tpu.vector_load %arg7[%get3A_575, %get3A_576] {strides = array<i32>} : memref<200x64xf32, #tpu.memory_space<vmem>>, vector<1x16xf32>,
        %get3A_578 = vector.shape_cast %get3A_577 : vector<1x16xf32> to vector<16xf32>
        %swap3A_579 = arith.constant 1 : i32
        %swap3A_580 = arith.index_cast %swap3A_579 : i32 to index
        %swap3A_581 = arith.index_cast %scan3A_552 : i32 to index
        %swap3A_582 = arith.constant 32 : index
        %swap3A_583 = tpu.vector_load %arg8[%swap3A_580, %swap3A_581, %swap3A_582] {strides = array<i32>} : memref<4x200x64xf32, #tpu.memory_space<vmem>>, vector<1x1x16xf32>,
        %swap3A_584 = vector.shape_cast %swap3A_583 : vector<1x1x16xf32> to vector<16xf32>
        %swap3A_585 = vector.shape_cast %get3A_578 : vector<16xf32> to vector<1x1x16xf32>
        tpu.vector_store %arg8[%swap3A_580, %swap3A_581, %swap3A_582], %swap3A_585 {add = true, strides = array<i32>} : memref<4x200x64xf32, #tpu.memory_space<vmem>>, vector<1x1x16xf32>,
        %get3A_586 = arith.index_cast %scan3A_552 : i32 to index
        %get3A_587 = arith.constant 48 : index
        %get3A_588 = tpu.vector_load %arg7[%get3A_586, %get3A_587] {strides = array<i32>} : memref<200x64xf32, #tpu.memory_space<vmem>>, vector<1x16xf32>,
        %get3A_589 = vector.shape_cast %get3A_588 : vector<1x16xf32> to vector<16xf32>
        %swap3A_590 = arith.constant 1 : i32
        %swap3A_591 = arith.index_cast %swap3A_590 : i32 to index
        %swap3A_592 = arith.index_cast %scan3A_552 : i32 to index
        %swap3A_593 = arith.constant 48 : index
        %swap3A_594 = tpu.vector_load %arg8[%swap3A_591, %swap3A_592, %swap3A_593] {strides = array<i32>} : memref<4x200x64xf32, #tpu.memory_space<vmem>>, vector<1x1x16xf32>,
        %swap3A_595 = vector.shape_cast %swap3A_594 : vector<1x1x16xf32> to vector<16xf32>
        %swap3A_596 = vector.shape_cast %get3A_589 : vector<16xf32> to vector<1x1x16xf32>
        tpu.vector_store %arg8[%swap3A_591, %swap3A_592, %swap3A_593], %swap3A_596 {add = true, strides = array<i32>} : memref<4x200x64xf32, #tpu.memory_space<vmem>>, vector<1x1x16xf32>,
      }
      %scan3A_262 = arith.constant 200 : i32
      %add3A_263 = arith.addi %mul3A_2, %add3A_221 : i32
      %dma_start3A_264 = arith.constant 1 : i32
      %dma_start3A_265 = arith.constant 1 : i32
      %dma_start3A_266 = arith.constant 0 : i32
      %dma_start3A_267 = arith.constant 0 : i32
      %dma_start3A_268 = tpu.memref_slice %arg8[%dma_start3A_264, %dma_start3A_266, %dma_start3A_267] : memref<4x200x64xf32, #tpu.memory_space<vmem>> -> memref<1x200x64xf32, #tpu.memory_space<vmem>>
      %dma_start3A_269 = tpu.memref_squeeze %dma_start3A_268 : memref<1x200x64xf32, #tpu.memory_space<vmem>> -> memref<200x64xf32, #tpu.memory_space<vmem>>
      %dma_start3A_270 = arith.constant 0 : i32
      %dma_start3A_271 = arith.constant 0 : i32
      %dma_start3A_272 = tpu.memref_slice %arg5[%add3A_263, %dma_start3A_270, %dma_start3A_271] : memref<4096x200x64xf32, #tpu.memory_space<hbm>> -> memref<1x200x64xf32, #tpu.memory_space<hbm>>
      %dma_start3A_273 = tpu.memref_squeeze %dma_start3A_272 : memref<1x200x64xf32, #tpu.memory_space<hbm>> -> memref<200x64xf32, #tpu.memory_space<hbm>>
      %dma_start3A_274 = tpu.memref_slice %arg10[%dma_start3A_265] : memref<4x!tpu.dma_semaphore, #tpu.memory_space<semaphore_mem>> -> memref<1x!tpu.dma_semaphore, #tpu.memory_space<semaphore_mem>>
      %dma_start3A_275 = tpu.memref_squeeze %dma_start3A_274 : memref<1x!tpu.dma_semaphore, #tpu.memory_space<semaphore_mem>> -> memref<!tpu.dma_semaphore, #tpu.memory_space<semaphore_mem>>
      %dma_start3A_276 = arith.constant 0 : i32
      %dma_start3A_277 = arith.constant 0 : i32
      %dma_start3A_278 = tpu.memref_slice %arg5[%add3A_263, %dma_start3A_276, %dma_start3A_277] : memref<4096x200x64xf32, #tpu.memory_space<hbm>> -> memref<1x200x64xf32, #tpu.memory_space<hbm>>
      %dma_start3A_279 = tpu.memref_squeeze %dma_start3A_278 : memref<1x200x64xf32, #tpu.memory_space<hbm>> -> memref<200x64xf32, #tpu.memory_space<hbm>>
      %dma_start3A_280 = arith.constant 0 : i32
      %dma_start3A_281 = arith.constant 0 : i32
      %dma_start3A_282 = tpu.memref_slice %arg8[%dma_start3A_264, %dma_start3A_280, %dma_start3A_281] : memref<4x200x64xf32, #tpu.memory_space<vmem>> -> memref<1x200x64xf32, #tpu.memory_space<vmem>>
      %dma_start3A_283 = tpu.memref_squeeze %dma_start3A_282 : memref<1x200x64xf32, #tpu.memory_space<vmem>> -> memref<200x64xf32, #tpu.memory_space<vmem>>
      tpu.enqueue_dma source(%dma_start3A_283 : memref<200x64xf32, #tpu.memory_space<vmem>>) target(%dma_start3A_279 : memref<200x64xf32, #tpu.memory_space<hbm>>) target_semaphore(%dma_start3A_275 : memref<!tpu.dma_semaphore, #tpu.memory_space<semaphore_mem>>)
      %mul3A_284 = arith.constant 4 : i32
      %mul3A_285 = arith.muli %scan3A_154, %mul3A_284 : i32
      %add3A_286 = arith.constant 2 : i32
      %add3A_287 = arith.addi %mul3A_285, %add3A_286 : i32
      %add3A_288 = arith.constant 2 : i32
      %add3A_289 = arith.addi %add3A_287, %add3A_288 : i32
      %lt3A_290 = arith.constant 128 : i32
      %lt3A_291 = arith.cmpi slt, %add3A_289, %lt3A_290 : i32
      %convert_element_type3A_292 = arith.extui %lt3A_291 : i1 to i32
      %cond3A_293 = arith.constant 0 : i32
      %cond3A_294 = arith.cmpi ne, %convert_element_type3A_292, %cond3A_293 : i32
      scf.if %cond3A_294 {
        %ge3A = arith.constant 4 : i32
        %ge3A_416 = arith.cmpi sge, %add3A_289, %ge3A : i32
        %convert_element_type3A_417 = arith.extui %ge3A_416 : i1 to i32
        %cond3A_418 = arith.constant 0 : i32
        %cond3A_419 = arith.cmpi ne, %convert_element_type3A_417, %cond3A_418 : i32
        scf.if %cond3A_419 {
          %sub3A = arith.constant 4 : i32
          %sub3A_448 = arith.subi %add3A_289, %sub3A : i32
          %add3A_449 = arith.addi %mul3A_2, %sub3A_448 : i32
          %dma_wait3A_450 = arith.constant 0 : i32
          %dma_wait3A_451 = arith.constant 0 : i32
          %dma_wait3A_452 = arith.constant 0 : i32
          %dma_wait3A_453 = arith.constant 0 : i32
          %dma_wait3A_454 = tpu.memref_slice %arg8[%dma_wait3A_450, %dma_wait3A_452, %dma_wait3A_453] : memref<4x200x64xf32, #tpu.memory_space<vmem>> -> memref<1x200x64xf32, #tpu.memory_space<vmem>>
          %dma_wait3A_455 = tpu.memref_squeeze %dma_wait3A_454 : memref<1x200x64xf32, #tpu.memory_space<vmem>> -> memref<200x64xf32, #tpu.memory_space<vmem>>
          %dma_wait3A_456 = arith.constant 0 : i32
          %dma_wait3A_457 = arith.constant 0 : i32
          %dma_wait3A_458 = tpu.memref_slice %arg5[%add3A_449, %dma_wait3A_456, %dma_wait3A_457] : memref<4096x200x64xf32, #tpu.memory_space<hbm>> -> memref<1x200x64xf32, #tpu.memory_space<hbm>>
          %dma_wait3A_459 = tpu.memref_squeeze %dma_wait3A_458 : memref<1x200x64xf32, #tpu.memory_space<hbm>> -> memref<200x64xf32, #tpu.memory_space<hbm>>
          %dma_wait3A_460 = tpu.memref_slice %arg10[%dma_wait3A_451] : memref<4x!tpu.dma_semaphore, #tpu.memory_space<semaphore_mem>> -> memref<1x!tpu.dma_semaphore, #tpu.memory_space<semaphore_mem>>
          %dma_wait3A_461 = tpu.memref_squeeze %dma_wait3A_460 : memref<1x!tpu.dma_semaphore, #tpu.memory_space<semaphore_mem>> -> memref<!tpu.dma_semaphore, #tpu.memory_space<semaphore_mem>>
          %dma_wait3A_462 = arith.constant 0 : i32
          %dma_wait3A_463 = arith.constant 0 : i32
          %dma_wait3A_464 = tpu.memref_slice %arg5[%add3A_449, %dma_wait3A_462, %dma_wait3A_463] : memref<4096x200x64xf32, #tpu.memory_space<hbm>> -> memref<1x200x64xf32, #tpu.memory_space<hbm>>
          %dma_wait3A_465 = tpu.memref_squeeze %dma_wait3A_464 : memref<1x200x64xf32, #tpu.memory_space<hbm>> -> memref<200x64xf32, #tpu.memory_space<hbm>>
          %dma_wait3A_466 = arith.constant 0 : i32
          %dma_wait3A_467 = arith.constant 0 : i32
          %dma_wait3A_468 = tpu.memref_slice %arg8[%dma_wait3A_450, %dma_wait3A_466, %dma_wait3A_467] : memref<4x200x64xf32, #tpu.memory_space<vmem>> -> memref<1x200x64xf32, #tpu.memory_space<vmem>>
          %dma_wait3A_469 = tpu.memref_squeeze %dma_wait3A_468 : memref<1x200x64xf32, #tpu.memory_space<vmem>> -> memref<200x64xf32, #tpu.memory_space<vmem>>
          tpu.wait_dma2 semaphore(%dma_wait3A_461 : memref<!tpu.dma_semaphore, #tpu.memory_space<semaphore_mem>>) src(%dma_wait3A_469 : memref<200x64xf32, #tpu.memory_space<vmem>>) dst(%dma_wait3A_465 : memref<200x64xf32, #tpu.memory_space<hbm>>)
        } else {
        }
        %dma_start3A_420 = arith.constant 0 : i32
        %dma_start3A_421 = arith.constant 0 : i32
        %dma_start3A_422 = arith.constant 0 : i32
        %dma_start3A_423 = arith.constant 0 : i32
        %dma_start3A_424 = tpu.memref_slice %arg8[%dma_start3A_420, %dma_start3A_422, %dma_start3A_423] : memref<4x200x64xf32, #tpu.memory_space<vmem>> -> memref<1x104x64xf32, #tpu.memory_space<vmem>>
        %dma_start3A_425 = tpu.memref_squeeze %dma_start3A_424 : memref<1x104x64xf32, #tpu.memory_space<vmem>> -> memref<104x64xf32, #tpu.memory_space<vmem>>
        %dma_start3A_426 = arith.constant 0 : i32
        %dma_start3A_427 = tpu.memref_slice %arg6[%add3A_289, %dma_start3A_426] : memref<128x200xi32, #tpu.memory_space<vmem>> -> memref<1x104xi32, #tpu.memory_space<vmem>>
        %dma_start3A_428 = tpu.memref_squeeze %dma_start3A_427 : memref<1x104xi32, #tpu.memory_space<vmem>> -> memref<104xi32, #tpu.memory_space<vmem>>
        %dma_start3A_429 = arith.constant 0 : i32
        %dma_start3A_430 = arith.constant 0 : i32
        %dma_start3A_431 = tpu.memref_slice %arg4[%dma_start3A_429, %dma_start3A_430] : memref<1000000x64xf32, #tpu.memory_space<hbm>> -> memref<1000000x64xf32, #tpu.memory_space<hbm>>
        %dma_start3A_432 = tpu.memref_slice %arg9[%dma_start3A_421] : memref<4x!tpu.dma_semaphore, #tpu.memory_space<semaphore_mem>> -> memref<1x!tpu.dma_semaphore, #tpu.memory_space<semaphore_mem>>
        %dma_start3A_433 = tpu.memref_squeeze %dma_start3A_432 : memref<1x!tpu.dma_semaphore, #tpu.memory_space<semaphore_mem>> -> memref<!tpu.dma_semaphore, #tpu.memory_space<semaphore_mem>>
        tpu.enqueue_indirect_dma source(%dma_start3A_431 : memref<1000000x64xf32, #tpu.memory_space<hbm>>) target(%dma_start3A_425 : memref<104x64xf32, #tpu.memory_space<vmem>>) offsets(%dma_start3A_428 : memref<104xi32, #tpu.memory_space<vmem>>) semaphore(%dma_start3A_433 : memref<!tpu.dma_semaphore, #tpu.memory_space<semaphore_mem>>)
        %dma_start3A_434 = arith.constant 0 : i32
        %dma_start3A_435 = arith.constant 0 : i32
        %dma_start3A_436 = arith.constant 104 : i32
        %dma_start3A_437 = arith.constant 0 : i32
        %dma_start3A_438 = tpu.memref_slice %arg8[%dma_start3A_434, %dma_start3A_436, %dma_start3A_437] : memref<4x200x64xf32, #tpu.memory_space<vmem>> -> memref<1x96x64xf32, #tpu.memory_space<vmem>>
        %dma_start3A_439 = tpu.memref_squeeze %dma_start3A_438 : memref<1x96x64xf32, #tpu.memory_space<vmem>> -> memref<96x64xf32, #tpu.memory_space<vmem>>
        %dma_start3A_440 = arith.constant 104 : i32
        %dma_start3A_441 = tpu.memref_slice %arg6[%add3A_289, %dma_start3A_440] : memref<128x200xi32, #tpu.memory_space<vmem>> -> memref<1x96xi32, #tpu.memory_space<vmem>>
        %dma_start3A_442 = tpu.memref_squeeze %dma_start3A_441 : memref<1x96xi32, #tpu.memory_space<vmem>> -> memref<96xi32, #tpu.memory_space<vmem>>
        %dma_start3A_443 = arith.constant 0 : i32
        %dma_start3A_444 = arith.constant 0 : i32
        %dma_start3A_445 = tpu.memref_slice %arg4[%dma_start3A_443, %dma_start3A_444] : memref<1000000x64xf32, #tpu.memory_space<hbm>> -> memref<1000000x64xf32, #tpu.memory_space<hbm>>
        %dma_start3A_446 = tpu.memref_slice %arg9[%dma_start3A_435] : memref<4x!tpu.dma_semaphore, #tpu.memory_space<semaphore_mem>> -> memref<1x!tpu.dma_semaphore, #tpu.memory_space<semaphore_mem>>
        %dma_start3A_447 = tpu.memref_squeeze %dma_start3A_446 : memref<1x!tpu.dma_semaphore, #tpu.memory_space<semaphore_mem>> -> memref<!tpu.dma_semaphore, #tpu.memory_space<semaphore_mem>>
        tpu.enqueue_indirect_dma source(%dma_start3A_445 : memref<1000000x64xf32, #tpu.memory_space<hbm>>) target(%dma_start3A_439 : memref<96x64xf32, #tpu.memory_space<vmem>>) offsets(%dma_start3A_442 : memref<96xi32, #tpu.memory_space<vmem>>) semaphore(%dma_start3A_447 : memref<!tpu.dma_semaphore, #tpu.memory_space<semaphore_mem>>)
      } else {
      }
      %dma_wait3A_295 = arith.constant 2 : i32
      %dma_wait3A_296 = arith.constant 2 : i32
      %dma_wait3A_297 = arith.constant 0 : i32
      %dma_wait3A_298 = arith.constant 0 : i32
      %dma_wait3A_299 = tpu.memref_slice %arg8[%dma_wait3A_295, %dma_wait3A_297, %dma_wait3A_298] : memref<4x200x64xf32, #tpu.memory_space<vmem>> -> memref<1x104x64xf32, #tpu.memory_space<vmem>>
      %dma_wait3A_300 = tpu.memref_squeeze %dma_wait3A_299 : memref<1x104x64xf32, #tpu.memory_space<vmem>> -> memref<104x64xf32, #tpu.memory_space<vmem>>
      %dma_wait3A_301 = arith.constant 0 : i32
      %dma_wait3A_302 = tpu.memref_slice %arg6[%add3A_287, %dma_wait3A_301] : memref<128x200xi32, #tpu.memory_space<vmem>> -> memref<1x104xi32, #tpu.memory_space<vmem>>
      %dma_wait3A_303 = tpu.memref_squeeze %dma_wait3A_302 : memref<1x104xi32, #tpu.memory_space<vmem>> -> memref<104xi32, #tpu.memory_space<vmem>>
      %dma_wait3A_304 = arith.constant 0 : i32
      %dma_wait3A_305 = arith.constant 0 : i32
      %dma_wait3A_306 = tpu.memref_slice %arg4[%dma_wait3A_304, %dma_wait3A_305] : memref<1000000x64xf32, #tpu.memory_space<hbm>> -> memref<1000000x64xf32, #tpu.memory_space<hbm>>
      %dma_wait3A_307 = tpu.memref_slice %arg9[%dma_wait3A_296] : memref<4x!tpu.dma_semaphore, #tpu.memory_space<semaphore_mem>> -> memref<1x!tpu.dma_semaphore, #tpu.memory_space<semaphore_mem>>
      %dma_wait3A_308 = tpu.memref_squeeze %dma_wait3A_307 : memref<1x!tpu.dma_semaphore, #tpu.memory_space<semaphore_mem>> -> memref<!tpu.dma_semaphore, #tpu.memory_space<semaphore_mem>>
      tpu.wait_indirect_dma semaphore(%dma_wait3A_308 : memref<!tpu.dma_semaphore, #tpu.memory_space<semaphore_mem>>) src(%dma_wait3A_306 : memref<1000000x64xf32, #tpu.memory_space<hbm>>) dst(%dma_wait3A_300 : memref<104x64xf32, #tpu.memory_space<vmem>>)
      %dma_wait3A_309 = arith.constant 2 : i32
      %dma_wait3A_310 = arith.constant 2 : i32
      %dma_wait3A_311 = arith.constant 104 : i32
      %dma_wait3A_312 = arith.constant 0 : i32
      %dma_wait3A_313 = tpu.memref_slice %arg8[%dma_wait3A_309, %dma_wait3A_311, %dma_wait3A_312] : memref<4x200x64xf32, #tpu.memory_space<vmem>> -> memref<1x96x64xf32, #tpu.memory_space<vmem>>
      %dma_wait3A_314 = tpu.memref_squeeze %dma_wait3A_313 : memref<1x96x64xf32, #tpu.memory_space<vmem>> -> memref<96x64xf32, #tpu.memory_space<vmem>>
      %dma_wait3A_315 = arith.constant 104 : i32
      %dma_wait3A_316 = tpu.memref_slice %arg6[%add3A_287, %dma_wait3A_315] : memref<128x200xi32, #tpu.memory_space<vmem>> -> memref<1x96xi32, #tpu.memory_space<vmem>>
      %dma_wait3A_317 = tpu.memref_squeeze %dma_wait3A_316 : memref<1x96xi32, #tpu.memory_space<vmem>> -> memref<96xi32, #tpu.memory_space<vmem>>
      %dma_wait3A_318 = arith.constant 0 : i32
      %dma_wait3A_319 = arith.constant 0 : i32
      %dma_wait3A_320 = tpu.memref_slice %arg4[%dma_wait3A_318, %dma_wait3A_319] : memref<1000000x64xf32, #tpu.memory_space<hbm>> -> memref<1000000x64xf32, #tpu.memory_space<hbm>>
      %dma_wait3A_321 = tpu.memref_slice %arg9[%dma_wait3A_310] : memref<4x!tpu.dma_semaphore, #tpu.memory_space<semaphore_mem>> -> memref<1x!tpu.dma_semaphore, #tpu.memory_space<semaphore_mem>>
      %dma_wait3A_322 = tpu.memref_squeeze %dma_wait3A_321 : memref<1x!tpu.dma_semaphore, #tpu.memory_space<semaphore_mem>> -> memref<!tpu.dma_semaphore, #tpu.memory_space<semaphore_mem>>
      tpu.wait_indirect_dma semaphore(%dma_wait3A_322 : memref<!tpu.dma_semaphore, #tpu.memory_space<semaphore_mem>>) src(%dma_wait3A_320 : memref<1000000x64xf32, #tpu.memory_space<hbm>>) dst(%dma_wait3A_314 : memref<96x64xf32, #tpu.memory_space<vmem>>)
      %scan3A_323 = arith.constant 0 : i32
      %scan3A_324 = arith.constant 0 : i32
      %scan3A_325 = arith.constant 200 : i32
      %scan3A_326 = arith.addi %scan3A_324, %scan3A_325 : i32
      %scan3A_327 = arith.constant 4 : i32
      scf.for %scan3A_416 = %scan3A_324 to %scan3A_326 step %scan3A_327  : i32 {
        %get3A = arith.index_cast %scan3A_416 : i32 to index
        %get3A_417 = arith.constant 0 : index
        %get3A_418 = tpu.vector_load %arg7[%get3A, %get3A_417] {strides = array<i32>} : memref<200x64xf32, #tpu.memory_space<vmem>>, vector<1x16xf32>,
        %get3A_419 = vector.shape_cast %get3A_418 : vector<1x16xf32> to vector<16xf32>
        %swap3A = arith.constant 2 : i32
        %swap3A_420 = arith.index_cast %swap3A : i32 to index
        %swap3A_421 = arith.index_cast %scan3A_416 : i32 to index
        %swap3A_422 = arith.constant 0 : index
        %swap3A_423 = tpu.vector_load %arg8[%swap3A_420, %swap3A_421, %swap3A_422] {strides = array<i32>} : memref<4x200x64xf32, #tpu.memory_space<vmem>>, vector<1x1x16xf32>,
        %swap3A_424 = vector.shape_cast %swap3A_423 : vector<1x1x16xf32> to vector<16xf32>
        %swap3A_425 = vector.shape_cast %get3A_419 : vector<16xf32> to vector<1x1x16xf32>
        tpu.vector_store %arg8[%swap3A_420, %swap3A_421, %swap3A_422], %swap3A_425 {add = true, strides = array<i32>} : memref<4x200x64xf32, #tpu.memory_space<vmem>>, vector<1x1x16xf32>,
        %get3A_426 = arith.index_cast %scan3A_416 : i32 to index
        %get3A_427 = arith.constant 16 : index
        %get3A_428 = tpu.vector_load %arg7[%get3A_426, %get3A_427] {strides = array<i32>} : memref<200x64xf32, #tpu.memory_space<vmem>>, vector<1x16xf32>,
        %get3A_429 = vector.shape_cast %get3A_428 : vector<1x16xf32> to vector<16xf32>
        %swap3A_430 = arith.constant 2 : i32
        %swap3A_431 = arith.index_cast %swap3A_430 : i32 to index
        %swap3A_432 = arith.index_cast %scan3A_416 : i32 to index
        %swap3A_433 = arith.constant 16 : index
        %swap3A_434 = tpu.vector_load %arg8[%swap3A_431, %swap3A_432, %swap3A_433] {strides = array<i32>} : memref<4x200x64xf32, #tpu.memory_space<vmem>>, vector<1x1x16xf32>,
        %swap3A_435 = vector.shape_cast %swap3A_434 : vector<1x1x16xf32> to vector<16xf32>
        %swap3A_436 = vector.shape_cast %get3A_429 : vector<16xf32> to vector<1x1x16xf32>
        tpu.vector_store %arg8[%swap3A_431, %swap3A_432, %swap3A_433], %swap3A_436 {add = true, strides = array<i32>} : memref<4x200x64xf32, #tpu.memory_space<vmem>>, vector<1x1x16xf32>,
        %get3A_437 = arith.index_cast %scan3A_416 : i32 to index
        %get3A_438 = arith.constant 32 : index
        %get3A_439 = tpu.vector_load %arg7[%get3A_437, %get3A_438] {strides = array<i32>} : memref<200x64xf32, #tpu.memory_space<vmem>>, vector<1x16xf32>,
        %get3A_440 = vector.shape_cast %get3A_439 : vector<1x16xf32> to vector<16xf32>
        %swap3A_441 = arith.constant 2 : i32
        %swap3A_442 = arith.index_cast %swap3A_441 : i32 to index
        %swap3A_443 = arith.index_cast %scan3A_416 : i32 to index
        %swap3A_444 = arith.constant 32 : index
        %swap3A_445 = tpu.vector_load %arg8[%swap3A_442, %swap3A_443, %swap3A_444] {strides = array<i32>} : memref<4x200x64xf32, #tpu.memory_space<vmem>>, vector<1x1x16xf32>,
        %swap3A_446 = vector.shape_cast %swap3A_445 : vector<1x1x16xf32> to vector<16xf32>
        %swap3A_447 = vector.shape_cast %get3A_440 : vector<16xf32> to vector<1x1x16xf32>
        tpu.vector_store %arg8[%swap3A_442, %swap3A_443, %swap3A_444], %swap3A_447 {add = true, strides = array<i32>} : memref<4x200x64xf32, #tpu.memory_space<vmem>>, vector<1x1x16xf32>,
        %get3A_448 = arith.index_cast %scan3A_416 : i32 to index
        %get3A_449 = arith.constant 48 : index
        %get3A_450 = tpu.vector_load %arg7[%get3A_448, %get3A_449] {strides = array<i32>} : memref<200x64xf32, #tpu.memory_space<vmem>>, vector<1x16xf32>,
        %get3A_451 = vector.shape_cast %get3A_450 : vector<1x16xf32> to vector<16xf32>
        %swap3A_452 = arith.constant 2 : i32
        %swap3A_453 = arith.index_cast %swap3A_452 : i32 to index
        %swap3A_454 = arith.index_cast %scan3A_416 : i32 to index
        %swap3A_455 = arith.constant 48 : index
        %swap3A_456 = tpu.vector_load %arg8[%swap3A_453, %swap3A_454, %swap3A_455] {strides = array<i32>} : memref<4x200x64xf32, #tpu.memory_space<vmem>>, vector<1x1x16xf32>,
        %swap3A_457 = vector.shape_cast %swap3A_456 : vector<1x1x16xf32> to vector<16xf32>
        %swap3A_458 = vector.shape_cast %get3A_451 : vector<16xf32> to vector<1x1x16xf32>
        tpu.vector_store %arg8[%swap3A_453, %swap3A_454, %swap3A_455], %swap3A_458 {add = true, strides = array<i32>} : memref<4x200x64xf32, #tpu.memory_space<vmem>>, vector<1x1x16xf32>,
        %scan3A_459 = arith.constant 1 : i32
        %scan3A_460 = arith.addi %scan3A_416, %scan3A_459 : i32
        %get3A_461 = arith.index_cast %scan3A_460 : i32 to index
        %get3A_462 = arith.constant 0 : index
        %get3A_463 = tpu.vector_load %arg7[%get3A_461, %get3A_462] {strides = array<i32>} : memref<200x64xf32, #tpu.memory_space<vmem>>, vector<1x16xf32>,
        %get3A_464 = vector.shape_cast %get3A_463 : vector<1x16xf32> to vector<16xf32>
        %swap3A_465 = arith.constant 2 : i32
        %swap3A_466 = arith.index_cast %swap3A_465 : i32 to index
        %swap3A_467 = arith.index_cast %scan3A_460 : i32 to index
        %swap3A_468 = arith.constant 0 : index
        %swap3A_469 = tpu.vector_load %arg8[%swap3A_466, %swap3A_467, %swap3A_468] {strides = array<i32>} : memref<4x200x64xf32, #tpu.memory_space<vmem>>, vector<1x1x16xf32>,
        %swap3A_470 = vector.shape_cast %swap3A_469 : vector<1x1x16xf32> to vector<16xf32>
        %swap3A_471 = vector.shape_cast %get3A_464 : vector<16xf32> to vector<1x1x16xf32>
        tpu.vector_store %arg8[%swap3A_466, %swap3A_467, %swap3A_468], %swap3A_471 {add = true, strides = array<i32>} : memref<4x200x64xf32, #tpu.memory_space<vmem>>, vector<1x1x16xf32>,
        %get3A_472 = arith.index_cast %scan3A_460 : i32 to index
        %get3A_473 = arith.constant 16 : index
        %get3A_474 = tpu.vector_load %arg7[%get3A_472, %get3A_473] {strides = array<i32>} : memref<200x64xf32, #tpu.memory_space<vmem>>, vector<1x16xf32>,
        %get3A_475 = vector.shape_cast %get3A_474 : vector<1x16xf32> to vector<16xf32>
        %swap3A_476 = arith.constant 2 : i32
        %swap3A_477 = arith.index_cast %swap3A_476 : i32 to index
        %swap3A_478 = arith.index_cast %scan3A_460 : i32 to index
        %swap3A_479 = arith.constant 16 : index
        %swap3A_480 = tpu.vector_load %arg8[%swap3A_477, %swap3A_478, %swap3A_479] {strides = array<i32>} : memref<4x200x64xf32, #tpu.memory_space<vmem>>, vector<1x1x16xf32>,
        %swap3A_481 = vector.shape_cast %swap3A_480 : vector<1x1x16xf32> to vector<16xf32>
        %swap3A_482 = vector.shape_cast %get3A_475 : vector<16xf32> to vector<1x1x16xf32>
        tpu.vector_store %arg8[%swap3A_477, %swap3A_478, %swap3A_479], %swap3A_482 {add = true, strides = array<i32>} : memref<4x200x64xf32, #tpu.memory_space<vmem>>, vector<1x1x16xf32>,
        %get3A_483 = arith.index_cast %scan3A_460 : i32 to index
        %get3A_484 = arith.constant 32 : index
        %get3A_485 = tpu.vector_load %arg7[%get3A_483, %get3A_484] {strides = array<i32>} : memref<200x64xf32, #tpu.memory_space<vmem>>, vector<1x16xf32>,
        %get3A_486 = vector.shape_cast %get3A_485 : vector<1x16xf32> to vector<16xf32>
        %swap3A_487 = arith.constant 2 : i32
        %swap3A_488 = arith.index_cast %swap3A_487 : i32 to index
        %swap3A_489 = arith.index_cast %scan3A_460 : i32 to index
        %swap3A_490 = arith.constant 32 : index
        %swap3A_491 = tpu.vector_load %arg8[%swap3A_488, %swap3A_489, %swap3A_490] {strides = array<i32>} : memref<4x200x64xf32, #tpu.memory_space<vmem>>, vector<1x1x16xf32>,
        %swap3A_492 = vector.shape_cast %swap3A_491 : vector<1x1x16xf32> to vector<16xf32>
        %swap3A_493 = vector.shape_cast %get3A_486 : vector<16xf32> to vector<1x1x16xf32>
        tpu.vector_store %arg8[%swap3A_488, %swap3A_489, %swap3A_490], %swap3A_493 {add = true, strides = array<i32>} : memref<4x200x64xf32, #tpu.memory_space<vmem>>, vector<1x1x16xf32>,
        %get3A_494 = arith.index_cast %scan3A_460 : i32 to index
        %get3A_495 = arith.constant 48 : index
        %get3A_496 = tpu.vector_load %arg7[%get3A_494, %get3A_495] {strides = array<i32>} : memref<200x64xf32, #tpu.memory_space<vmem>>, vector<1x16xf32>,
        %get3A_497 = vector.shape_cast %get3A_496 : vector<1x16xf32> to vector<16xf32>
        %swap3A_498 = arith.constant 2 : i32
        %swap3A_499 = arith.index_cast %swap3A_498 : i32 to index
        %swap3A_500 = arith.index_cast %scan3A_460 : i32 to index
        %swap3A_501 = arith.constant 48 : index
        %swap3A_502 = tpu.vector_load %arg8[%swap3A_499, %swap3A_500, %swap3A_501] {strides = array<i32>} : memref<4x200x64xf32, #tpu.memory_space<vmem>>, vector<1x1x16xf32>,
        %swap3A_503 = vector.shape_cast %swap3A_502 : vector<1x1x16xf32> to vector<16xf32>
        %swap3A_504 = vector.shape_cast %get3A_497 : vector<16xf32> to vector<1x1x16xf32>
        tpu.vector_store %arg8[%swap3A_499, %swap3A_500, %swap3A_501], %swap3A_504 {add = true, strides = array<i32>} : memref<4x200x64xf32, #tpu.memory_space<vmem>>, vector<1x1x16xf32>,
        %scan3A_505 = arith.constant 2 : i32
        %scan3A_506 = arith.addi %scan3A_416, %scan3A_505 : i32
        %get3A_507 = arith.index_cast %scan3A_506 : i32 to index
        %get3A_508 = arith.constant 0 : index
        %get3A_509 = tpu.vector_load %arg7[%get3A_507, %get3A_508] {strides = array<i32>} : memref<200x64xf32, #tpu.memory_space<vmem>>, vector<1x16xf32>,
        %get3A_510 = vector.shape_cast %get3A_509 : vector<1x16xf32> to vector<16xf32>
        %swap3A_511 = arith.constant 2 : i32
        %swap3A_512 = arith.index_cast %swap3A_511 : i32 to index
        %swap3A_513 = arith.index_cast %scan3A_506 : i32 to index
        %swap3A_514 = arith.constant 0 : index
        %swap3A_515 = tpu.vector_load %arg8[%swap3A_512, %swap3A_513, %swap3A_514] {strides = array<i32>} : memref<4x200x64xf32, #tpu.memory_space<vmem>>, vector<1x1x16xf32>,
        %swap3A_516 = vector.shape_cast %swap3A_515 : vector<1x1x16xf32> to vector<16xf32>
        %swap3A_517 = vector.shape_cast %get3A_510 : vector<16xf32> to vector<1x1x16xf32>
        tpu.vector_store %arg8[%swap3A_512, %swap3A_513, %swap3A_514], %swap3A_517 {add = true, strides = array<i32>} : memref<4x200x64xf32, #tpu.memory_space<vmem>>, vector<1x1x16xf32>,
        %get3A_518 = arith.index_cast %scan3A_506 : i32 to index
        %get3A_519 = arith.constant 16 : index
        %get3A_520 = tpu.vector_load %arg7[%get3A_518, %get3A_519] {strides = array<i32>} : memref<200x64xf32, #tpu.memory_space<vmem>>, vector<1x16xf32>,
        %get3A_521 = vector.shape_cast %get3A_520 : vector<1x16xf32> to vector<16xf32>
        %swap3A_522 = arith.constant 2 : i32
        %swap3A_523 = arith.index_cast %swap3A_522 : i32 to index
        %swap3A_524 = arith.index_cast %scan3A_506 : i32 to index
        %swap3A_525 = arith.constant 16 : index
        %swap3A_526 = tpu.vector_load %arg8[%swap3A_523, %swap3A_524, %swap3A_525] {strides = array<i32>} : memref<4x200x64xf32, #tpu.memory_space<vmem>>, vector<1x1x16xf32>,
        %swap3A_527 = vector.shape_cast %swap3A_526 : vector<1x1x16xf32> to vector<16xf32>
        %swap3A_528 = vector.shape_cast %get3A_521 : vector<16xf32> to vector<1x1x16xf32>
        tpu.vector_store %arg8[%swap3A_523, %swap3A_524, %swap3A_525], %swap3A_528 {add = true, strides = array<i32>} : memref<4x200x64xf32, #tpu.memory_space<vmem>>, vector<1x1x16xf32>,
        %get3A_529 = arith.index_cast %scan3A_506 : i32 to index
        %get3A_530 = arith.constant 32 : index
        %get3A_531 = tpu.vector_load %arg7[%get3A_529, %get3A_530] {strides = array<i32>} : memref<200x64xf32, #tpu.memory_space<vmem>>, vector<1x16xf32>,
        %get3A_532 = vector.shape_cast %get3A_531 : vector<1x16xf32> to vector<16xf32>
        %swap3A_533 = arith.constant 2 : i32
        %swap3A_534 = arith.index_cast %swap3A_533 : i32 to index
        %swap3A_535 = arith.index_cast %scan3A_506 : i32 to index
        %swap3A_536 = arith.constant 32 : index
        %swap3A_537 = tpu.vector_load %arg8[%swap3A_534, %swap3A_535, %swap3A_536] {strides = array<i32>} : memref<4x200x64xf32, #tpu.memory_space<vmem>>, vector<1x1x16xf32>,
        %swap3A_538 = vector.shape_cast %swap3A_537 : vector<1x1x16xf32> to vector<16xf32>
        %swap3A_539 = vector.shape_cast %get3A_532 : vector<16xf32> to vector<1x1x16xf32>
        tpu.vector_store %arg8[%swap3A_534, %swap3A_535, %swap3A_536], %swap3A_539 {add = true, strides = array<i32>} : memref<4x200x64xf32, #tpu.memory_space<vmem>>, vector<1x1x16xf32>,
        %get3A_540 = arith.index_cast %scan3A_506 : i32 to index
        %get3A_541 = arith.constant 48 : index
        %get3A_542 = tpu.vector_load %arg7[%get3A_540, %get3A_541] {strides = array<i32>} : memref<200x64xf32, #tpu.memory_space<vmem>>, vector<1x16xf32>,
        %get3A_543 = vector.shape_cast %get3A_542 : vector<1x16xf32> to vector<16xf32>
        %swap3A_544 = arith.constant 2 : i32
        %swap3A_545 = arith.index_cast %swap3A_544 : i32 to index
        %swap3A_546 = arith.index_cast %scan3A_506 : i32 to index
        %swap3A_547 = arith.constant 48 : index
        %swap3A_548 = tpu.vector_load %arg8[%swap3A_545, %swap3A_546, %swap3A_547] {strides = array<i32>} : memref<4x200x64xf32, #tpu.memory_space<vmem>>, vector<1x1x16xf32>,
        %swap3A_549 = vector.shape_cast %swap3A_548 : vector<1x1x16xf32> to vector<16xf32>
        %swap3A_550 = vector.shape_cast %get3A_543 : vector<16xf32> to vector<1x1x16xf32>
        tpu.vector_store %arg8[%swap3A_545, %swap3A_546, %swap3A_547], %swap3A_550 {add = true, strides = array<i32>} : memref<4x200x64xf32, #tpu.memory_space<vmem>>, vector<1x1x16xf32>,
        %scan3A_551 = arith.constant 3 : i32
        %scan3A_552 = arith.addi %scan3A_416, %scan3A_551 : i32
        %get3A_553 = arith.index_cast %scan3A_552 : i32 to index
        %get3A_554 = arith.constant 0 : index
        %get3A_555 = tpu.vector_load %arg7[%get3A_553, %get3A_554] {strides = array<i32>} : memref<200x64xf32, #tpu.memory_space<vmem>>, vector<1x16xf32>,
        %get3A_556 = vector.shape_cast %get3A_555 : vector<1x16xf32> to vector<16xf32>
        %swap3A_557 = arith.constant 2 : i32
        %swap3A_558 = arith.index_cast %swap3A_557 : i32 to index
        %swap3A_559 = arith.index_cast %scan3A_552 : i32 to index
        %swap3A_560 = arith.constant 0 : index
        %swap3A_561 = tpu.vector_load %arg8[%swap3A_558, %swap3A_559, %swap3A_560] {strides = array<i32>} : memref<4x200x64xf32, #tpu.memory_space<vmem>>, vector<1x1x16xf32>,
        %swap3A_562 = vector.shape_cast %swap3A_561 : vector<1x1x16xf32> to vector<16xf32>
        %swap3A_563 = vector.shape_cast %get3A_556 : vector<16xf32> to vector<1x1x16xf32>
        tpu.vector_store %arg8[%swap3A_558, %swap3A_559, %swap3A_560], %swap3A_563 {add = true, strides = array<i32>} : memref<4x200x64xf32, #tpu.memory_space<vmem>>, vector<1x1x16xf32>,
        %get3A_564 = arith.index_cast %scan3A_552 : i32 to index
        %get3A_565 = arith.constant 16 : index
        %get3A_566 = tpu.vector_load %arg7[%get3A_564, %get3A_565] {strides = array<i32>} : memref<200x64xf32, #tpu.memory_space<vmem>>, vector<1x16xf32>,
        %get3A_567 = vector.shape_cast %get3A_566 : vector<1x16xf32> to vector<16xf32>
        %swap3A_568 = arith.constant 2 : i32
        %swap3A_569 = arith.index_cast %swap3A_568 : i32 to index
        %swap3A_570 = arith.index_cast %scan3A_552 : i32 to index
        %swap3A_571 = arith.constant 16 : index
        %swap3A_572 = tpu.vector_load %arg8[%swap3A_569, %swap3A_570, %swap3A_571] {strides = array<i32>} : memref<4x200x64xf32, #tpu.memory_space<vmem>>, vector<1x1x16xf32>,
        %swap3A_573 = vector.shape_cast %swap3A_572 : vector<1x1x16xf32> to vector<16xf32>
        %swap3A_574 = vector.shape_cast %get3A_567 : vector<16xf32> to vector<1x1x16xf32>
        tpu.vector_store %arg8[%swap3A_569, %swap3A_570, %swap3A_571], %swap3A_574 {add = true, strides = array<i32>} : memref<4x200x64xf32, #tpu.memory_space<vmem>>, vector<1x1x16xf32>,
        %get3A_575 = arith.index_cast %scan3A_552 : i32 to index
        %get3A_576 = arith.constant 32 : index
        %get3A_577 = tpu.vector_load %arg7[%get3A_575, %get3A_576] {strides = array<i32>} : memref<200x64xf32, #tpu.memory_space<vmem>>, vector<1x16xf32>,
        %get3A_578 = vector.shape_cast %get3A_577 : vector<1x16xf32> to vector<16xf32>
        %swap3A_579 = arith.constant 2 : i32
        %swap3A_580 = arith.index_cast %swap3A_579 : i32 to index
        %swap3A_581 = arith.index_cast %scan3A_552 : i32 to index
        %swap3A_582 = arith.constant 32 : index
        %swap3A_583 = tpu.vector_load %arg8[%swap3A_580, %swap3A_581, %swap3A_582] {strides = array<i32>} : memref<4x200x64xf32, #tpu.memory_space<vmem>>, vector<1x1x16xf32>,
        %swap3A_584 = vector.shape_cast %swap3A_583 : vector<1x1x16xf32> to vector<16xf32>
        %swap3A_585 = vector.shape_cast %get3A_578 : vector<16xf32> to vector<1x1x16xf32>
        tpu.vector_store %arg8[%swap3A_580, %swap3A_581, %swap3A_582], %swap3A_585 {add = true, strides = array<i32>} : memref<4x200x64xf32, #tpu.memory_space<vmem>>, vector<1x1x16xf32>,
        %get3A_586 = arith.index_cast %scan3A_552 : i32 to index
        %get3A_587 = arith.constant 48 : index
        %get3A_588 = tpu.vector_load %arg7[%get3A_586, %get3A_587] {strides = array<i32>} : memref<200x64xf32, #tpu.memory_space<vmem>>, vector<1x16xf32>,
        %get3A_589 = vector.shape_cast %get3A_588 : vector<1x16xf32> to vector<16xf32>
        %swap3A_590 = arith.constant 2 : i32
        %swap3A_591 = arith.index_cast %swap3A_590 : i32 to index
        %swap3A_592 = arith.index_cast %scan3A_552 : i32 to index
        %swap3A_593 = arith.constant 48 : index
        %swap3A_594 = tpu.vector_load %arg8[%swap3A_591, %swap3A_592, %swap3A_593] {strides = array<i32>} : memref<4x200x64xf32, #tpu.memory_space<vmem>>, vector<1x1x16xf32>,
        %swap3A_595 = vector.shape_cast %swap3A_594 : vector<1x1x16xf32> to vector<16xf32>
        %swap3A_596 = vector.shape_cast %get3A_589 : vector<16xf32> to vector<1x1x16xf32>
        tpu.vector_store %arg8[%swap3A_591, %swap3A_592, %swap3A_593], %swap3A_596 {add = true, strides = array<i32>} : memref<4x200x64xf32, #tpu.memory_space<vmem>>, vector<1x1x16xf32>,
      }
      %scan3A_328 = arith.constant 200 : i32
      %add3A_329 = arith.addi %mul3A_2, %add3A_287 : i32
      %dma_start3A_330 = arith.constant 2 : i32
      %dma_start3A_331 = arith.constant 2 : i32
      %dma_start3A_332 = arith.constant 0 : i32
      %dma_start3A_333 = arith.constant 0 : i32
      %dma_start3A_334 = tpu.memref_slice %arg8[%dma_start3A_330, %dma_start3A_332, %dma_start3A_333] : memref<4x200x64xf32, #tpu.memory_space<vmem>> -> memref<1x200x64xf32, #tpu.memory_space<vmem>>
      %dma_start3A_335 = tpu.memref_squeeze %dma_start3A_334 : memref<1x200x64xf32, #tpu.memory_space<vmem>> -> memref<200x64xf32, #tpu.memory_space<vmem>>
      %dma_start3A_336 = arith.constant 0 : i32
      %dma_start3A_337 = arith.constant 0 : i32
      %dma_start3A_338 = tpu.memref_slice %arg5[%add3A_329, %dma_start3A_336, %dma_start3A_337] : memref<4096x200x64xf32, #tpu.memory_space<hbm>> -> memref<1x200x64xf32, #tpu.memory_space<hbm>>
      %dma_start3A_339 = tpu.memref_squeeze %dma_start3A_338 : memref<1x200x64xf32, #tpu.memory_space<hbm>> -> memref<200x64xf32, #tpu.memory_space<hbm>>
      %dma_start3A_340 = tpu.memref_slice %arg10[%dma_start3A_331] : memref<4x!tpu.dma_semaphore, #tpu.memory_space<semaphore_mem>> -> memref<1x!tpu.dma_semaphore, #tpu.memory_space<semaphore_mem>>
      %dma_start3A_341 = tpu.memref_squeeze %dma_start3A_340 : memref<1x!tpu.dma_semaphore, #tpu.memory_space<semaphore_mem>> -> memref<!tpu.dma_semaphore, #tpu.memory_space<semaphore_mem>>
      %dma_start3A_342 = arith.constant 0 : i32
      %dma_start3A_343 = arith.constant 0 : i32
      %dma_start3A_344 = tpu.memref_slice %arg5[%add3A_329, %dma_start3A_342, %dma_start3A_343] : memref<4096x200x64xf32, #tpu.memory_space<hbm>> -> memref<1x200x64xf32, #tpu.memory_space<hbm>>
      %dma_start3A_345 = tpu.memref_squeeze %dma_start3A_344 : memref<1x200x64xf32, #tpu.memory_space<hbm>> -> memref<200x64xf32, #tpu.memory_space<hbm>>
      %dma_start3A_346 = arith.constant 0 : i32
      %dma_start3A_347 = arith.constant 0 : i32
      %dma_start3A_348 = tpu.memref_slice %arg8[%dma_start3A_330, %dma_start3A_346, %dma_start3A_347] : memref<4x200x64xf32, #tpu.memory_space<vmem>> -> memref<1x200x64xf32, #tpu.memory_space<vmem>>
      %dma_start3A_349 = tpu.memref_squeeze %dma_start3A_348 : memref<1x200x64xf32, #tpu.memory_space<vmem>> -> memref<200x64xf32, #tpu.memory_space<vmem>>
      tpu.enqueue_dma source(%dma_start3A_349 : memref<200x64xf32, #tpu.memory_space<vmem>>) target(%dma_start3A_345 : memref<200x64xf32, #tpu.memory_space<hbm>>) target_semaphore(%dma_start3A_341 : memref<!tpu.dma_semaphore, #tpu.memory_space<semaphore_mem>>)
      %mul3A_350 = arith.constant 4 : i32
      %mul3A_351 = arith.muli %scan3A_154, %mul3A_350 : i32
      %add3A_352 = arith.constant 3 : i32
      %add3A_353 = arith.addi %mul3A_351, %add3A_352 : i32
      %add3A_354 = arith.constant 2 : i32
      %add3A_355 = arith.addi %add3A_353, %add3A_354 : i32
      %lt3A_356 = arith.constant 128 : i32
      %lt3A_357 = arith.cmpi slt, %add3A_355, %lt3A_356 : i32
      %convert_element_type3A_358 = arith.extui %lt3A_357 : i1 to i32
      %cond3A_359 = arith.constant 0 : i32
      %cond3A_360 = arith.cmpi ne, %convert_element_type3A_358, %cond3A_359 : i32
      scf.if %cond3A_360 {
        %ge3A = arith.constant 4 : i32
        %ge3A_416 = arith.cmpi sge, %add3A_355, %ge3A : i32
        %convert_element_type3A_417 = arith.extui %ge3A_416 : i1 to i32
        %cond3A_418 = arith.constant 0 : i32
        %cond3A_419 = arith.cmpi ne, %convert_element_type3A_417, %cond3A_418 : i32
        scf.if %cond3A_419 {
          %sub3A = arith.constant 4 : i32
          %sub3A_448 = arith.subi %add3A_355, %sub3A : i32
          %add3A_449 = arith.addi %mul3A_2, %sub3A_448 : i32
          %dma_wait3A_450 = arith.constant 1 : i32
          %dma_wait3A_451 = arith.constant 1 : i32
          %dma_wait3A_452 = arith.constant 0 : i32
          %dma_wait3A_453 = arith.constant 0 : i32
          %dma_wait3A_454 = tpu.memref_slice %arg8[%dma_wait3A_450, %dma_wait3A_452, %dma_wait3A_453] : memref<4x200x64xf32, #tpu.memory_space<vmem>> -> memref<1x200x64xf32, #tpu.memory_space<vmem>>
          %dma_wait3A_455 = tpu.memref_squeeze %dma_wait3A_454 : memref<1x200x64xf32, #tpu.memory_space<vmem>> -> memref<200x64xf32, #tpu.memory_space<vmem>>
          %dma_wait3A_456 = arith.constant 0 : i32
          %dma_wait3A_457 = arith.constant 0 : i32
          %dma_wait3A_458 = tpu.memref_slice %arg5[%add3A_449, %dma_wait3A_456, %dma_wait3A_457] : memref<4096x200x64xf32, #tpu.memory_space<hbm>> -> memref<1x200x64xf32, #tpu.memory_space<hbm>>
          %dma_wait3A_459 = tpu.memref_squeeze %dma_wait3A_458 : memref<1x200x64xf32, #tpu.memory_space<hbm>> -> memref<200x64xf32, #tpu.memory_space<hbm>>
          %dma_wait3A_460 = tpu.memref_slice %arg10[%dma_wait3A_451] : memref<4x!tpu.dma_semaphore, #tpu.memory_space<semaphore_mem>> -> memref<1x!tpu.dma_semaphore, #tpu.memory_space<semaphore_mem>>
          %dma_wait3A_461 = tpu.memref_squeeze %dma_wait3A_460 : memref<1x!tpu.dma_semaphore, #tpu.memory_space<semaphore_mem>> -> memref<!tpu.dma_semaphore, #tpu.memory_space<semaphore_mem>>
          %dma_wait3A_462 = arith.constant 0 : i32
          %dma_wait3A_463 = arith.constant 0 : i32
          %dma_wait3A_464 = tpu.memref_slice %arg5[%add3A_449, %dma_wait3A_462, %dma_wait3A_463] : memref<4096x200x64xf32, #tpu.memory_space<hbm>> -> memref<1x200x64xf32, #tpu.memory_space<hbm>>
          %dma_wait3A_465 = tpu.memref_squeeze %dma_wait3A_464 : memref<1x200x64xf32, #tpu.memory_space<hbm>> -> memref<200x64xf32, #tpu.memory_space<hbm>>
          %dma_wait3A_466 = arith.constant 0 : i32
          %dma_wait3A_467 = arith.constant 0 : i32
          %dma_wait3A_468 = tpu.memref_slice %arg8[%dma_wait3A_450, %dma_wait3A_466, %dma_wait3A_467] : memref<4x200x64xf32, #tpu.memory_space<vmem>> -> memref<1x200x64xf32, #tpu.memory_space<vmem>>
          %dma_wait3A_469 = tpu.memref_squeeze %dma_wait3A_468 : memref<1x200x64xf32, #tpu.memory_space<vmem>> -> memref<200x64xf32, #tpu.memory_space<vmem>>
          tpu.wait_dma2 semaphore(%dma_wait3A_461 : memref<!tpu.dma_semaphore, #tpu.memory_space<semaphore_mem>>) src(%dma_wait3A_469 : memref<200x64xf32, #tpu.memory_space<vmem>>) dst(%dma_wait3A_465 : memref<200x64xf32, #tpu.memory_space<hbm>>)
        } else {
        }
        %dma_start3A_420 = arith.constant 1 : i32
        %dma_start3A_421 = arith.constant 1 : i32
        %dma_start3A_422 = arith.constant 0 : i32
        %dma_start3A_423 = arith.constant 0 : i32
        %dma_start3A_424 = tpu.memref_slice %arg8[%dma_start3A_420, %dma_start3A_422, %dma_start3A_423] : memref<4x200x64xf32, #tpu.memory_space<vmem>> -> memref<1x104x64xf32, #tpu.memory_space<vmem>>
        %dma_start3A_425 = tpu.memref_squeeze %dma_start3A_424 : memref<1x104x64xf32, #tpu.memory_space<vmem>> -> memref<104x64xf32, #tpu.memory_space<vmem>>
        %dma_start3A_426 = arith.constant 0 : i32
        %dma_start3A_427 = tpu.memref_slice %arg6[%add3A_355, %dma_start3A_426] : memref<128x200xi32, #tpu.memory_space<vmem>> -> memref<1x104xi32, #tpu.memory_space<vmem>>
        %dma_start3A_428 = tpu.memref_squeeze %dma_start3A_427 : memref<1x104xi32, #tpu.memory_space<vmem>> -> memref<104xi32, #tpu.memory_space<vmem>>
        %dma_start3A_429 = arith.constant 0 : i32
        %dma_start3A_430 = arith.constant 0 : i32
        %dma_start3A_431 = tpu.memref_slice %arg4[%dma_start3A_429, %dma_start3A_430] : memref<1000000x64xf32, #tpu.memory_space<hbm>> -> memref<1000000x64xf32, #tpu.memory_space<hbm>>
        %dma_start3A_432 = tpu.memref_slice %arg9[%dma_start3A_421] : memref<4x!tpu.dma_semaphore, #tpu.memory_space<semaphore_mem>> -> memref<1x!tpu.dma_semaphore, #tpu.memory_space<semaphore_mem>>
        %dma_start3A_433 = tpu.memref_squeeze %dma_start3A_432 : memref<1x!tpu.dma_semaphore, #tpu.memory_space<semaphore_mem>> -> memref<!tpu.dma_semaphore, #tpu.memory_space<semaphore_mem>>
        tpu.enqueue_indirect_dma source(%dma_start3A_431 : memref<1000000x64xf32, #tpu.memory_space<hbm>>) target(%dma_start3A_425 : memref<104x64xf32, #tpu.memory_space<vmem>>) offsets(%dma_start3A_428 : memref<104xi32, #tpu.memory_space<vmem>>) semaphore(%dma_start3A_433 : memref<!tpu.dma_semaphore, #tpu.memory_space<semaphore_mem>>)
        %dma_start3A_434 = arith.constant 1 : i32
        %dma_start3A_435 = arith.constant 1 : i32
        %dma_start3A_436 = arith.constant 104 : i32
        %dma_start3A_437 = arith.constant 0 : i32
        %dma_start3A_438 = tpu.memref_slice %arg8[%dma_start3A_434, %dma_start3A_436, %dma_start3A_437] : memref<4x200x64xf32, #tpu.memory_space<vmem>> -> memref<1x96x64xf32, #tpu.memory_space<vmem>>
        %dma_start3A_439 = tpu.memref_squeeze %dma_start3A_438 : memref<1x96x64xf32, #tpu.memory_space<vmem>> -> memref<96x64xf32, #tpu.memory_space<vmem>>
        %dma_start3A_440 = arith.constant 104 : i32
        %dma_start3A_441 = tpu.memref_slice %arg6[%add3A_355, %dma_start3A_440] : memref<128x200xi32, #tpu.memory_space<vmem>> -> memref<1x96xi32, #tpu.memory_space<vmem>>
        %dma_start3A_442 = tpu.memref_squeeze %dma_start3A_441 : memref<1x96xi32, #tpu.memory_space<vmem>> -> memref<96xi32, #tpu.memory_space<vmem>>
        %dma_start3A_443 = arith.constant 0 : i32
        %dma_start3A_444 = arith.constant 0 : i32
        %dma_start3A_445 = tpu.memref_slice %arg4[%dma_start3A_443, %dma_start3A_444] : memref<1000000x64xf32, #tpu.memory_space<hbm>> -> memref<1000000x64xf32, #tpu.memory_space<hbm>>
        %dma_start3A_446 = tpu.memref_slice %arg9[%dma_start3A_435] : memref<4x!tpu.dma_semaphore, #tpu.memory_space<semaphore_mem>> -> memref<1x!tpu.dma_semaphore, #tpu.memory_space<semaphore_mem>>
        %dma_start3A_447 = tpu.memref_squeeze %dma_start3A_446 : memref<1x!tpu.dma_semaphore, #tpu.memory_space<semaphore_mem>> -> memref<!tpu.dma_semaphore, #tpu.memory_space<semaphore_mem>>
        tpu.enqueue_indirect_dma source(%dma_start3A_445 : memref<1000000x64xf32, #tpu.memory_space<hbm>>) target(%dma_start3A_439 : memref<96x64xf32, #tpu.memory_space<vmem>>) offsets(%dma_start3A_442 : memref<96xi32, #tpu.memory_space<vmem>>) semaphore(%dma_start3A_447 : memref<!tpu.dma_semaphore, #tpu.memory_space<semaphore_mem>>)
      } else {
      }
      %dma_wait3A_361 = arith.constant 3 : i32
      %dma_wait3A_362 = arith.constant 3 : i32
      %dma_wait3A_363 = arith.constant 0 : i32
      %dma_wait3A_364 = arith.constant 0 : i32
      %dma_wait3A_365 = tpu.memref_slice %arg8[%dma_wait3A_361, %dma_wait3A_363, %dma_wait3A_364] : memref<4x200x64xf32, #tpu.memory_space<vmem>> -> memref<1x104x64xf32, #tpu.memory_space<vmem>>
      %dma_wait3A_366 = tpu.memref_squeeze %dma_wait3A_365 : memref<1x104x64xf32, #tpu.memory_space<vmem>> -> memref<104x64xf32, #tpu.memory_space<vmem>>
      %dma_wait3A_367 = arith.constant 0 : i32
      %dma_wait3A_368 = tpu.memref_slice %arg6[%add3A_353, %dma_wait3A_367] : memref<128x200xi32, #tpu.memory_space<vmem>> -> memref<1x104xi32, #tpu.memory_space<vmem>>
      %dma_wait3A_369 = tpu.memref_squeeze %dma_wait3A_368 : memref<1x104xi32, #tpu.memory_space<vmem>> -> memref<104xi32, #tpu.memory_space<vmem>>
      %dma_wait3A_370 = arith.constant 0 : i32
      %dma_wait3A_371 = arith.constant 0 : i32
      %dma_wait3A_372 = tpu.memref_slice %arg4[%dma_wait3A_370, %dma_wait3A_371] : memref<1000000x64xf32, #tpu.memory_space<hbm>> -> memref<1000000x64xf32, #tpu.memory_space<hbm>>
      %dma_wait3A_373 = tpu.memref_slice %arg9[%dma_wait3A_362] : memref<4x!tpu.dma_semaphore, #tpu.memory_space<semaphore_mem>> -> memref<1x!tpu.dma_semaphore, #tpu.memory_space<semaphore_mem>>
      %dma_wait3A_374 = tpu.memref_squeeze %dma_wait3A_373 : memref<1x!tpu.dma_semaphore, #tpu.memory_space<semaphore_mem>> -> memref<!tpu.dma_semaphore, #tpu.memory_space<semaphore_mem>>
      tpu.wait_indirect_dma semaphore(%dma_wait3A_374 : memref<!tpu.dma_semaphore, #tpu.memory_space<semaphore_mem>>) src(%dma_wait3A_372 : memref<1000000x64xf32, #tpu.memory_space<hbm>>) dst(%dma_wait3A_366 : memref<104x64xf32, #tpu.memory_space<vmem>>)
      %dma_wait3A_375 = arith.constant 3 : i32
      %dma_wait3A_376 = arith.constant 3 : i32
      %dma_wait3A_377 = arith.constant 104 : i32
      %dma_wait3A_378 = arith.constant 0 : i32
      %dma_wait3A_379 = tpu.memref_slice %arg8[%dma_wait3A_375, %dma_wait3A_377, %dma_wait3A_378] : memref<4x200x64xf32, #tpu.memory_space<vmem>> -> memref<1x96x64xf32, #tpu.memory_space<vmem>>
      %dma_wait3A_380 = tpu.memref_squeeze %dma_wait3A_379 : memref<1x96x64xf32, #tpu.memory_space<vmem>> -> memref<96x64xf32, #tpu.memory_space<vmem>>
      %dma_wait3A_381 = arith.constant 104 : i32
      %dma_wait3A_382 = tpu.memref_slice %arg6[%add3A_353, %dma_wait3A_381] : memref<128x200xi32, #tpu.memory_space<vmem>> -> memref<1x96xi32, #tpu.memory_space<vmem>>
      %dma_wait3A_383 = tpu.memref_squeeze %dma_wait3A_382 : memref<1x96xi32, #tpu.memory_space<vmem>> -> memref<96xi32, #tpu.memory_space<vmem>>
      %dma_wait3A_384 = arith.constant 0 : i32
      %dma_wait3A_385 = arith.constant 0 : i32
      %dma_wait3A_386 = tpu.memref_slice %arg4[%dma_wait3A_384, %dma_wait3A_385] : memref<1000000x64xf32, #tpu.memory_space<hbm>> -> memref<1000000x64xf32, #tpu.memory_space<hbm>>
      %dma_wait3A_387 = tpu.memref_slice %arg9[%dma_wait3A_376] : memref<4x!tpu.dma_semaphore, #tpu.memory_space<semaphore_mem>> -> memref<1x!tpu.dma_semaphore, #tpu.memory_space<semaphore_mem>>
      %dma_wait3A_388 = tpu.memref_squeeze %dma_wait3A_387 : memref<1x!tpu.dma_semaphore, #tpu.memory_space<semaphore_mem>> -> memref<!tpu.dma_semaphore, #tpu.memory_space<semaphore_mem>>
      tpu.wait_indirect_dma semaphore(%dma_wait3A_388 : memref<!tpu.dma_semaphore, #tpu.memory_space<semaphore_mem>>) src(%dma_wait3A_386 : memref<1000000x64xf32, #tpu.memory_space<hbm>>) dst(%dma_wait3A_380 : memref<96x64xf32, #tpu.memory_space<vmem>>)
      %scan3A_389 = arith.constant 0 : i32
      %scan3A_390 = arith.constant 0 : i32
      %scan3A_391 = arith.constant 200 : i32
      %scan3A_392 = arith.addi %scan3A_390, %scan3A_391 : i32
      %scan3A_393 = arith.constant 4 : i32
      scf.for %scan3A_416 = %scan3A_390 to %scan3A_392 step %scan3A_393  : i32 {
        %get3A = arith.index_cast %scan3A_416 : i32 to index
        %get3A_417 = arith.constant 0 : index
        %get3A_418 = tpu.vector_load %arg7[%get3A, %get3A_417] {strides = array<i32>} : memref<200x64xf32, #tpu.memory_space<vmem>>, vector<1x16xf32>,
        %get3A_419 = vector.shape_cast %get3A_418 : vector<1x16xf32> to vector<16xf32>
        %swap3A = arith.constant 3 : i32
        %swap3A_420 = arith.index_cast %swap3A : i32 to index
        %swap3A_421 = arith.index_cast %scan3A_416 : i32 to index
        %swap3A_422 = arith.constant 0 : index
        %swap3A_423 = tpu.vector_load %arg8[%swap3A_420, %swap3A_421, %swap3A_422] {strides = array<i32>} : memref<4x200x64xf32, #tpu.memory_space<vmem>>, vector<1x1x16xf32>,
        %swap3A_424 = vector.shape_cast %swap3A_423 : vector<1x1x16xf32> to vector<16xf32>
        %swap3A_425 = vector.shape_cast %get3A_419 : vector<16xf32> to vector<1x1x16xf32>
        tpu.vector_store %arg8[%swap3A_420, %swap3A_421, %swap3A_422], %swap3A_425 {add = true, strides = array<i32>} : memref<4x200x64xf32, #tpu.memory_space<vmem>>, vector<1x1x16xf32>,
        %get3A_426 = arith.index_cast %scan3A_416 : i32 to index
        %get3A_427 = arith.constant 16 : index
        %get3A_428 = tpu.vector_load %arg7[%get3A_426, %get3A_427] {strides = array<i32>} : memref<200x64xf32, #tpu.memory_space<vmem>>, vector<1x16xf32>,
        %get3A_429 = vector.shape_cast %get3A_428 : vector<1x16xf32> to vector<16xf32>
        %swap3A_430 = arith.constant 3 : i32
        %swap3A_431 = arith.index_cast %swap3A_430 : i32 to index
        %swap3A_432 = arith.index_cast %scan3A_416 : i32 to index
        %swap3A_433 = arith.constant 16 : index
        %swap3A_434 = tpu.vector_load %arg8[%swap3A_431, %swap3A_432, %swap3A_433] {strides = array<i32>} : memref<4x200x64xf32, #tpu.memory_space<vmem>>, vector<1x1x16xf32>,
        %swap3A_435 = vector.shape_cast %swap3A_434 : vector<1x1x16xf32> to vector<16xf32>
        %swap3A_436 = vector.shape_cast %get3A_429 : vector<16xf32> to vector<1x1x16xf32>
        tpu.vector_store %arg8[%swap3A_431, %swap3A_432, %swap3A_433], %swap3A_436 {add = true, strides = array<i32>} : memref<4x200x64xf32, #tpu.memory_space<vmem>>, vector<1x1x16xf32>,
        %get3A_437 = arith.index_cast %scan3A_416 : i32 to index
        %get3A_438 = arith.constant 32 : index
        %get3A_439 = tpu.vector_load %arg7[%get3A_437, %get3A_438] {strides = array<i32>} : memref<200x64xf32, #tpu.memory_space<vmem>>, vector<1x16xf32>,
        %get3A_440 = vector.shape_cast %get3A_439 : vector<1x16xf32> to vector<16xf32>
        %swap3A_441 = arith.constant 3 : i32
        %swap3A_442 = arith.index_cast %swap3A_441 : i32 to index
        %swap3A_443 = arith.index_cast %scan3A_416 : i32 to index
        %swap3A_444 = arith.constant 32 : index
        %swap3A_445 = tpu.vector_load %arg8[%swap3A_442, %swap3A_443, %swap3A_444] {strides = array<i32>} : memref<4x200x64xf32, #tpu.memory_space<vmem>>, vector<1x1x16xf32>,
        %swap3A_446 = vector.shape_cast %swap3A_445 : vector<1x1x16xf32> to vector<16xf32>
        %swap3A_447 = vector.shape_cast %get3A_440 : vector<16xf32> to vector<1x1x16xf32>
        tpu.vector_store %arg8[%swap3A_442, %swap3A_443, %swap3A_444], %swap3A_447 {add = true, strides = array<i32>} : memref<4x200x64xf32, #tpu.memory_space<vmem>>, vector<1x1x16xf32>,
        %get3A_448 = arith.index_cast %scan3A_416 : i32 to index
        %get3A_449 = arith.constant 48 : index
        %get3A_450 = tpu.vector_load %arg7[%get3A_448, %get3A_449] {strides = array<i32>} : memref<200x64xf32, #tpu.memory_space<vmem>>, vector<1x16xf32>,
        %get3A_451 = vector.shape_cast %get3A_450 : vector<1x16xf32> to vector<16xf32>
        %swap3A_452 = arith.constant 3 : i32
        %swap3A_453 = arith.index_cast %swap3A_452 : i32 to index
        %swap3A_454 = arith.index_cast %scan3A_416 : i32 to index
        %swap3A_455 = arith.constant 48 : index
        %swap3A_456 = tpu.vector_load %arg8[%swap3A_453, %swap3A_454, %swap3A_455] {strides = array<i32>} : memref<4x200x64xf32, #tpu.memory_space<vmem>>, vector<1x1x16xf32>,
        %swap3A_457 = vector.shape_cast %swap3A_456 : vector<1x1x16xf32> to vector<16xf32>
        %swap3A_458 = vector.shape_cast %get3A_451 : vector<16xf32> to vector<1x1x16xf32>
        tpu.vector_store %arg8[%swap3A_453, %swap3A_454, %swap3A_455], %swap3A_458 {add = true, strides = array<i32>} : memref<4x200x64xf32, #tpu.memory_space<vmem>>, vector<1x1x16xf32>,
        %scan3A_459 = arith.constant 1 : i32
        %scan3A_460 = arith.addi %scan3A_416, %scan3A_459 : i32
        %get3A_461 = arith.index_cast %scan3A_460 : i32 to index
        %get3A_462 = arith.constant 0 : index
        %get3A_463 = tpu.vector_load %arg7[%get3A_461, %get3A_462] {strides = array<i32>} : memref<200x64xf32, #tpu.memory_space<vmem>>, vector<1x16xf32>,
        %get3A_464 = vector.shape_cast %get3A_463 : vector<1x16xf32> to vector<16xf32>
        %swap3A_465 = arith.constant 3 : i32
        %swap3A_466 = arith.index_cast %swap3A_465 : i32 to index
        %swap3A_467 = arith.index_cast %scan3A_460 : i32 to index
        %swap3A_468 = arith.constant 0 : index
        %swap3A_469 = tpu.vector_load %arg8[%swap3A_466, %swap3A_467, %swap3A_468] {strides = array<i32>} : memref<4x200x64xf32, #tpu.memory_space<vmem>>, vector<1x1x16xf32>,
        %swap3A_470 = vector.shape_cast %swap3A_469 : vector<1x1x16xf32> to vector<16xf32>
        %swap3A_471 = vector.shape_cast %get3A_464 : vector<16xf32> to vector<1x1x16xf32>
        tpu.vector_store %arg8[%swap3A_466, %swap3A_467, %swap3A_468], %swap3A_471 {add = true, strides = array<i32>} : memref<4x200x64xf32, #tpu.memory_space<vmem>>, vector<1x1x16xf32>,
        %get3A_472 = arith.index_cast %scan3A_460 : i32 to index
        %get3A_473 = arith.constant 16 : index
        %get3A_474 = tpu.vector_load %arg7[%get3A_472, %get3A_473] {strides = array<i32>} : memref<200x64xf32, #tpu.memory_space<vmem>>, vector<1x16xf32>,
        %get3A_475 = vector.shape_cast %get3A_474 : vector<1x16xf32> to vector<16xf32>
        %swap3A_476 = arith.constant 3 : i32
        %swap3A_477 = arith.index_cast %swap3A_476 : i32 to index
        %swap3A_478 = arith.index_cast %scan3A_460 : i32 to index
        %swap3A_479 = arith.constant 16 : index
        %swap3A_480 = tpu.vector_load %arg8[%swap3A_477, %swap3A_478, %swap3A_479] {strides = array<i32>} : memref<4x200x64xf32, #tpu.memory_space<vmem>>, vector<1x1x16xf32>,
        %swap3A_481 = vector.shape_cast %swap3A_480 : vector<1x1x16xf32> to vector<16xf32>
        %swap3A_482 = vector.shape_cast %get3A_475 : vector<16xf32> to vector<1x1x16xf32>
        tpu.vector_store %arg8[%swap3A_477, %swap3A_478, %swap3A_479], %swap3A_482 {add = true, strides = array<i32>} : memref<4x200x64xf32, #tpu.memory_space<vmem>>, vector<1x1x16xf32>,
        %get3A_483 = arith.index_cast %scan3A_460 : i32 to index
        %get3A_484 = arith.constant 32 : index
        %get3A_485 = tpu.vector_load %arg7[%get3A_483, %get3A_484] {strides = array<i32>} : memref<200x64xf32, #tpu.memory_space<vmem>>, vector<1x16xf32>,
        %get3A_486 = vector.shape_cast %get3A_485 : vector<1x16xf32> to vector<16xf32>
        %swap3A_487 = arith.constant 3 : i32
        %swap3A_488 = arith.index_cast %swap3A_487 : i32 to index
        %swap3A_489 = arith.index_cast %scan3A_460 : i32 to index
        %swap3A_490 = arith.constant 32 : index
        %swap3A_491 = tpu.vector_load %arg8[%swap3A_488, %swap3A_489, %swap3A_490] {strides = array<i32>} : memref<4x200x64xf32, #tpu.memory_space<vmem>>, vector<1x1x16xf32>,
        %swap3A_492 = vector.shape_cast %swap3A_491 : vector<1x1x16xf32> to vector<16xf32>
        %swap3A_493 = vector.shape_cast %get3A_486 : vector<16xf32> to vector<1x1x16xf32>
        tpu.vector_store %arg8[%swap3A_488, %swap3A_489, %swap3A_490], %swap3A_493 {add = true, strides = array<i32>} : memref<4x200x64xf32, #tpu.memory_space<vmem>>, vector<1x1x16xf32>,
        %get3A_494 = arith.index_cast %scan3A_460 : i32 to index
        %get3A_495 = arith.constant 48 : index
        %get3A_496 = tpu.vector_load %arg7[%get3A_494, %get3A_495] {strides = array<i32>} : memref<200x64xf32, #tpu.memory_space<vmem>>, vector<1x16xf32>,
        %get3A_497 = vector.shape_cast %get3A_496 : vector<1x16xf32> to vector<16xf32>
        %swap3A_498 = arith.constant 3 : i32
        %swap3A_499 = arith.index_cast %swap3A_498 : i32 to index
        %swap3A_500 = arith.index_cast %scan3A_460 : i32 to index
        %swap3A_501 = arith.constant 48 : index
        %swap3A_502 = tpu.vector_load %arg8[%swap3A_499, %swap3A_500, %swap3A_501] {strides = array<i32>} : memref<4x200x64xf32, #tpu.memory_space<vmem>>, vector<1x1x16xf32>,
        %swap3A_503 = vector.shape_cast %swap3A_502 : vector<1x1x16xf32> to vector<16xf32>
        %swap3A_504 = vector.shape_cast %get3A_497 : vector<16xf32> to vector<1x1x16xf32>
        tpu.vector_store %arg8[%swap3A_499, %swap3A_500, %swap3A_501], %swap3A_504 {add = true, strides = array<i32>} : memref<4x200x64xf32, #tpu.memory_space<vmem>>, vector<1x1x16xf32>,
        %scan3A_505 = arith.constant 2 : i32
        %scan3A_506 = arith.addi %scan3A_416, %scan3A_505 : i32
        %get3A_507 = arith.index_cast %scan3A_506 : i32 to index
        %get3A_508 = arith.constant 0 : index
        %get3A_509 = tpu.vector_load %arg7[%get3A_507, %get3A_508] {strides = array<i32>} : memref<200x64xf32, #tpu.memory_space<vmem>>, vector<1x16xf32>,
        %get3A_510 = vector.shape_cast %get3A_509 : vector<1x16xf32> to vector<16xf32>
        %swap3A_511 = arith.constant 3 : i32
        %swap3A_512 = arith.index_cast %swap3A_511 : i32 to index
        %swap3A_513 = arith.index_cast %scan3A_506 : i32 to index
        %swap3A_514 = arith.constant 0 : index
        %swap3A_515 = tpu.vector_load %arg8[%swap3A_512, %swap3A_513, %swap3A_514] {strides = array<i32>} : memref<4x200x64xf32, #tpu.memory_space<vmem>>, vector<1x1x16xf32>,
        %swap3A_516 = vector.shape_cast %swap3A_515 : vector<1x1x16xf32> to vector<16xf32>
        %swap3A_517 = vector.shape_cast %get3A_510 : vector<16xf32> to vector<1x1x16xf32>
        tpu.vector_store %arg8[%swap3A_512, %swap3A_513, %swap3A_514], %swap3A_517 {add = true, strides = array<i32>} : memref<4x200x64xf32, #tpu.memory_space<vmem>>, vector<1x1x16xf32>,
        %get3A_518 = arith.index_cast %scan3A_506 : i32 to index
        %get3A_519 = arith.constant 16 : index
        %get3A_520 = tpu.vector_load %arg7[%get3A_518, %get3A_519] {strides = array<i32>} : memref<200x64xf32, #tpu.memory_space<vmem>>, vector<1x16xf32>,
        %get3A_521 = vector.shape_cast %get3A_520 : vector<1x16xf32> to vector<16xf32>
        %swap3A_522 = arith.constant 3 : i32
        %swap3A_523 = arith.index_cast %swap3A_522 : i32 to index
        %swap3A_524 = arith.index_cast %scan3A_506 : i32 to index
        %swap3A_525 = arith.constant 16 : index
        %swap3A_526 = tpu.vector_load %arg8[%swap3A_523, %swap3A_524, %swap3A_525] {strides = array<i32>} : memref<4x200x64xf32, #tpu.memory_space<vmem>>, vector<1x1x16xf32>,
        %swap3A_527 = vector.shape_cast %swap3A_526 : vector<1x1x16xf32> to vector<16xf32>
        %swap3A_528 = vector.shape_cast %get3A_521 : vector<16xf32> to vector<1x1x16xf32>
        tpu.vector_store %arg8[%swap3A_523, %swap3A_524, %swap3A_525], %swap3A_528 {add = true, strides = array<i32>} : memref<4x200x64xf32, #tpu.memory_space<vmem>>, vector<1x1x16xf32>,
        %get3A_529 = arith.index_cast %scan3A_506 : i32 to index
        %get3A_530 = arith.constant 32 : index
        %get3A_531 = tpu.vector_load %arg7[%get3A_529, %get3A_530] {strides = array<i32>} : memref<200x64xf32, #tpu.memory_space<vmem>>, vector<1x16xf32>,
        %get3A_532 = vector.shape_cast %get3A_531 : vector<1x16xf32> to vector<16xf32>
        %swap3A_533 = arith.constant 3 : i32
        %swap3A_534 = arith.index_cast %swap3A_533 : i32 to index
        %swap3A_535 = arith.index_cast %scan3A_506 : i32 to index
        %swap3A_536 = arith.constant 32 : index
        %swap3A_537 = tpu.vector_load %arg8[%swap3A_534, %swap3A_535, %swap3A_536] {strides = array<i32>} : memref<4x200x64xf32, #tpu.memory_space<vmem>>, vector<1x1x16xf32>,
        %swap3A_538 = vector.shape_cast %swap3A_537 : vector<1x1x16xf32> to vector<16xf32>
        %swap3A_539 = vector.shape_cast %get3A_532 : vector<16xf32> to vector<1x1x16xf32>
        tpu.vector_store %arg8[%swap3A_534, %swap3A_535, %swap3A_536], %swap3A_539 {add = true, strides = array<i32>} : memref<4x200x64xf32, #tpu.memory_space<vmem>>, vector<1x1x16xf32>,
        %get3A_540 = arith.index_cast %scan3A_506 : i32 to index
        %get3A_541 = arith.constant 48 : index
        %get3A_542 = tpu.vector_load %arg7[%get3A_540, %get3A_541] {strides = array<i32>} : memref<200x64xf32, #tpu.memory_space<vmem>>, vector<1x16xf32>,
        %get3A_543 = vector.shape_cast %get3A_542 : vector<1x16xf32> to vector<16xf32>
        %swap3A_544 = arith.constant 3 : i32
        %swap3A_545 = arith.index_cast %swap3A_544 : i32 to index
        %swap3A_546 = arith.index_cast %scan3A_506 : i32 to index
        %swap3A_547 = arith.constant 48 : index
        %swap3A_548 = tpu.vector_load %arg8[%swap3A_545, %swap3A_546, %swap3A_547] {strides = array<i32>} : memref<4x200x64xf32, #tpu.memory_space<vmem>>, vector<1x1x16xf32>,
        %swap3A_549 = vector.shape_cast %swap3A_548 : vector<1x1x16xf32> to vector<16xf32>
        %swap3A_550 = vector.shape_cast %get3A_543 : vector<16xf32> to vector<1x1x16xf32>
        tpu.vector_store %arg8[%swap3A_545, %swap3A_546, %swap3A_547], %swap3A_550 {add = true, strides = array<i32>} : memref<4x200x64xf32, #tpu.memory_space<vmem>>, vector<1x1x16xf32>,
        %scan3A_551 = arith.constant 3 : i32
        %scan3A_552 = arith.addi %scan3A_416, %scan3A_551 : i32
        %get3A_553 = arith.index_cast %scan3A_552 : i32 to index
        %get3A_554 = arith.constant 0 : index
        %get3A_555 = tpu.vector_load %arg7[%get3A_553, %get3A_554] {strides = array<i32>} : memref<200x64xf32, #tpu.memory_space<vmem>>, vector<1x16xf32>,
        %get3A_556 = vector.shape_cast %get3A_555 : vector<1x16xf32> to vector<16xf32>
        %swap3A_557 = arith.constant 3 : i32
        %swap3A_558 = arith.index_cast %swap3A_557 : i32 to index
        %swap3A_559 = arith.index_cast %scan3A_552 : i32 to index
        %swap3A_560 = arith.constant 0 : index
        %swap3A_561 = tpu.vector_load %arg8[%swap3A_558, %swap3A_559, %swap3A_560] {strides = array<i32>} : memref<4x200x64xf32, #tpu.memory_space<vmem>>, vector<1x1x16xf32>,
        %swap3A_562 = vector.shape_cast %swap3A_561 : vector<1x1x16xf32> to vector<16xf32>
        %swap3A_563 = vector.shape_cast %get3A_556 : vector<16xf32> to vector<1x1x16xf32>
        tpu.vector_store %arg8[%swap3A_558, %swap3A_559, %swap3A_560], %swap3A_563 {add = true, strides = array<i32>} : memref<4x200x64xf32, #tpu.memory_space<vmem>>, vector<1x1x16xf32>,
        %get3A_564 = arith.index_cast %scan3A_552 : i32 to index
        %get3A_565 = arith.constant 16 : index
        %get3A_566 = tpu.vector_load %arg7[%get3A_564, %get3A_565] {strides = array<i32>} : memref<200x64xf32, #tpu.memory_space<vmem>>, vector<1x16xf32>,
        %get3A_567 = vector.shape_cast %get3A_566 : vector<1x16xf32> to vector<16xf32>
        %swap3A_568 = arith.constant 3 : i32
        %swap3A_569 = arith.index_cast %swap3A_568 : i32 to index
        %swap3A_570 = arith.index_cast %scan3A_552 : i32 to index
        %swap3A_571 = arith.constant 16 : index
        %swap3A_572 = tpu.vector_load %arg8[%swap3A_569, %swap3A_570, %swap3A_571] {strides = array<i32>} : memref<4x200x64xf32, #tpu.memory_space<vmem>>, vector<1x1x16xf32>,
        %swap3A_573 = vector.shape_cast %swap3A_572 : vector<1x1x16xf32> to vector<16xf32>
        %swap3A_574 = vector.shape_cast %get3A_567 : vector<16xf32> to vector<1x1x16xf32>
        tpu.vector_store %arg8[%swap3A_569, %swap3A_570, %swap3A_571], %swap3A_574 {add = true, strides = array<i32>} : memref<4x200x64xf32, #tpu.memory_space<vmem>>, vector<1x1x16xf32>,
        %get3A_575 = arith.index_cast %scan3A_552 : i32 to index
        %get3A_576 = arith.constant 32 : index
        %get3A_577 = tpu.vector_load %arg7[%get3A_575, %get3A_576] {strides = array<i32>} : memref<200x64xf32, #tpu.memory_space<vmem>>, vector<1x16xf32>,
        %get3A_578 = vector.shape_cast %get3A_577 : vector<1x16xf32> to vector<16xf32>
        %swap3A_579 = arith.constant 3 : i32
        %swap3A_580 = arith.index_cast %swap3A_579 : i32 to index
        %swap3A_581 = arith.index_cast %scan3A_552 : i32 to index
        %swap3A_582 = arith.constant 32 : index
        %swap3A_583 = tpu.vector_load %arg8[%swap3A_580, %swap3A_581, %swap3A_582] {strides = array<i32>} : memref<4x200x64xf32, #tpu.memory_space<vmem>>, vector<1x1x16xf32>,
        %swap3A_584 = vector.shape_cast %swap3A_583 : vector<1x1x16xf32> to vector<16xf32>
        %swap3A_585 = vector.shape_cast %get3A_578 : vector<16xf32> to vector<1x1x16xf32>
        tpu.vector_store %arg8[%swap3A_580, %swap3A_581, %swap3A_582], %swap3A_585 {add = true, strides = array<i32>} : memref<4x200x64xf32, #tpu.memory_space<vmem>>, vector<1x1x16xf32>,
        %get3A_586 = arith.index_cast %scan3A_552 : i32 to index
        %get3A_587 = arith.constant 48 : index
        %get3A_588 = tpu.vector_load %arg7[%get3A_586, %get3A_587] {strides = array<i32>} : memref<200x64xf32, #tpu.memory_space<vmem>>, vector<1x16xf32>,
        %get3A_589 = vector.shape_cast %get3A_588 : vector<1x16xf32> to vector<16xf32>
        %swap3A_590 = arith.constant 3 : i32
        %swap3A_591 = arith.index_cast %swap3A_590 : i32 to index
        %swap3A_592 = arith.index_cast %scan3A_552 : i32 to index
        %swap3A_593 = arith.constant 48 : index
        %swap3A_594 = tpu.vector_load %arg8[%swap3A_591, %swap3A_592, %swap3A_593] {strides = array<i32>} : memref<4x200x64xf32, #tpu.memory_space<vmem>>, vector<1x1x16xf32>,
        %swap3A_595 = vector.shape_cast %swap3A_594 : vector<1x1x16xf32> to vector<16xf32>
        %swap3A_596 = vector.shape_cast %get3A_589 : vector<16xf32> to vector<1x1x16xf32>
        tpu.vector_store %arg8[%swap3A_591, %swap3A_592, %swap3A_593], %swap3A_596 {add = true, strides = array<i32>} : memref<4x200x64xf32, #tpu.memory_space<vmem>>, vector<1x1x16xf32>,
      }
      %scan3A_394 = arith.constant 200 : i32
      %add3A_395 = arith.addi %mul3A_2, %add3A_353 : i32
      %dma_start3A_396 = arith.constant 3 : i32
      %dma_start3A_397 = arith.constant 3 : i32
      %dma_start3A_398 = arith.constant 0 : i32
      %dma_start3A_399 = arith.constant 0 : i32
      %dma_start3A_400 = tpu.memref_slice %arg8[%dma_start3A_396, %dma_start3A_398, %dma_start3A_399] : memref<4x200x64xf32, #tpu.memory_space<vmem>> -> memref<1x200x64xf32, #tpu.memory_space<vmem>>
      %dma_start3A_401 = tpu.memref_squeeze %dma_start3A_400 : memref<1x200x64xf32, #tpu.memory_space<vmem>> -> memref<200x64xf32, #tpu.memory_space<vmem>>
      %dma_start3A_402 = arith.constant 0 : i32
      %dma_start3A_403 = arith.constant 0 : i32
      %dma_start3A_404 = tpu.memref_slice %arg5[%add3A_395, %dma_start3A_402, %dma_start3A_403] : memref<4096x200x64xf32, #tpu.memory_space<hbm>> -> memref<1x200x64xf32, #tpu.memory_space<hbm>>
      %dma_start3A_405 = tpu.memref_squeeze %dma_start3A_404 : memref<1x200x64xf32, #tpu.memory_space<hbm>> -> memref<200x64xf32, #tpu.memory_space<hbm>>
      %dma_start3A_406 = tpu.memref_slice %arg10[%dma_start3A_397] : memref<4x!tpu.dma_semaphore, #tpu.memory_space<semaphore_mem>> -> memref<1x!tpu.dma_semaphore, #tpu.memory_space<semaphore_mem>>
      %dma_start3A_407 = tpu.memref_squeeze %dma_start3A_406 : memref<1x!tpu.dma_semaphore, #tpu.memory_space<semaphore_mem>> -> memref<!tpu.dma_semaphore, #tpu.memory_space<semaphore_mem>>
      %dma_start3A_408 = arith.constant 0 : i32
      %dma_start3A_409 = arith.constant 0 : i32
      %dma_start3A_410 = tpu.memref_slice %arg5[%add3A_395, %dma_start3A_408, %dma_start3A_409] : memref<4096x200x64xf32, #tpu.memory_space<hbm>> -> memref<1x200x64xf32, #tpu.memory_space<hbm>>
      %dma_start3A_411 = tpu.memref_squeeze %dma_start3A_410 : memref<1x200x64xf32, #tpu.memory_space<hbm>> -> memref<200x64xf32, #tpu.memory_space<hbm>>
      %dma_start3A_412 = arith.constant 0 : i32
      %dma_start3A_413 = arith.constant 0 : i32
      %dma_start3A_414 = tpu.memref_slice %arg8[%dma_start3A_396, %dma_start3A_412, %dma_start3A_413] : memref<4x200x64xf32, #tpu.memory_space<vmem>> -> memref<1x200x64xf32, #tpu.memory_space<vmem>>
      %dma_start3A_415 = tpu.memref_squeeze %dma_start3A_414 : memref<1x200x64xf32, #tpu.memory_space<vmem>> -> memref<200x64xf32, #tpu.memory_space<vmem>>
      tpu.enqueue_dma source(%dma_start3A_415 : memref<200x64xf32, #tpu.memory_space<vmem>>) target(%dma_start3A_411 : memref<200x64xf32, #tpu.memory_space<hbm>>) target_semaphore(%dma_start3A_407 : memref<!tpu.dma_semaphore, #tpu.memory_space<semaphore_mem>>)
    }
    %scan3A_66 = arith.constant 32 : i32
    %add3A_67 = arith.constant 124 : i32
    %add3A_68 = arith.addi %mul3A_2, %add3A_67 : i32
    %dma_wait3A = arith.constant 0 : i32
    %dma_wait3A_69 = arith.constant 0 : i32
    %dma_wait3A_70 = arith.constant 0 : i32
    %dma_wait3A_71 = arith.constant 0 : i32
    %dma_wait3A_72 = tpu.memref_slice %arg8[%dma_wait3A, %dma_wait3A_70, %dma_wait3A_71] : memref<4x200x64xf32, #tpu.memory_space<vmem>> -> memref<1x200x64xf32, #tpu.memory_space<vmem>>
    %dma_wait3A_73 = tpu.memref_squeeze %dma_wait3A_72 : memref<1x200x64xf32, #tpu.memory_space<vmem>> -> memref<200x64xf32, #tpu.memory_space<vmem>>
    %dma_wait3A_74 = arith.constant 0 : i32
    %dma_wait3A_75 = arith.constant 0 : i32
    %dma_wait3A_76 = tpu.memref_slice %arg5[%add3A_68, %dma_wait3A_74, %dma_wait3A_75] : memref<4096x200x64xf32, #tpu.memory_space<hbm>> -> memref<1x200x64xf32, #tpu.memory_space<hbm>>
    %dma_wait3A_77 = tpu.memref_squeeze %dma_wait3A_76 : memref<1x200x64xf32, #tpu.memory_space<hbm>> -> memref<200x64xf32, #tpu.memory_space<hbm>>
    %dma_wait3A_78 = tpu.memref_slice %arg10[%dma_wait3A_69] : memref<4x!tpu.dma_semaphore, #tpu.memory_space<semaphore_mem>> -> memref<1x!tpu.dma_semaphore, #tpu.memory_space<semaphore_mem>>
    %dma_wait3A_79 = tpu.memref_squeeze %dma_wait3A_78 : memref<1x!tpu.dma_semaphore, #tpu.memory_space<semaphore_mem>> -> memref<!tpu.dma_semaphore, #tpu.memory_space<semaphore_mem>>
    %dma_wait3A_80 = arith.constant 0 : i32
    %dma_wait3A_81 = arith.constant 0 : i32
    %dma_wait3A_82 = tpu.memref_slice %arg5[%add3A_68, %dma_wait3A_80, %dma_wait3A_81] : memref<4096x200x64xf32, #tpu.memory_space<hbm>> -> memref<1x200x64xf32, #tpu.memory_space<hbm>>
    %dma_wait3A_83 = tpu.memref_squeeze %dma_wait3A_82 : memref<1x200x64xf32, #tpu.memory_space<hbm>> -> memref<200x64xf32, #tpu.memory_space<hbm>>
    %dma_wait3A_84 = arith.constant 0 : i32
    %dma_wait3A_85 = arith.constant 0 : i32
    %dma_wait3A_86 = tpu.memref_slice %arg8[%dma_wait3A, %dma_wait3A_84, %dma_wait3A_85] : memref<4x200x64xf32, #tpu.memory_space<vmem>> -> memref<1x200x64xf32, #tpu.memory_space<vmem>>
    %dma_wait3A_87 = tpu.memref_squeeze %dma_wait3A_86 : memref<1x200x64xf32, #tpu.memory_space<vmem>> -> memref<200x64xf32, #tpu.memory_space<vmem>>
    tpu.wait_dma2 semaphore(%dma_wait3A_79 : memref<!tpu.dma_semaphore, #tpu.memory_space<semaphore_mem>>) src(%dma_wait3A_87 : memref<200x64xf32, #tpu.memory_space<vmem>>) dst(%dma_wait3A_83 : memref<200x64xf32, #tpu.memory_space<hbm>>)
    %add3A_88 = arith.constant 125 : i32
    %add3A_89 = arith.addi %mul3A_2, %add3A_88 : i32
    %dma_wait3A_90 = arith.constant 1 : i32
    %dma_wait3A_91 = arith.constant 1 : i32
    %dma_wait3A_92 = arith.constant 0 : i32
    %dma_wait3A_93 = arith.constant 0 : i32
    %dma_wait3A_94 = tpu.memref_slice %arg8[%dma_wait3A_90, %dma_wait3A_92, %dma_wait3A_93] : memref<4x200x64xf32, #tpu.memory_space<vmem>> -> memref<1x200x64xf32, #tpu.memory_space<vmem>>
    %dma_wait3A_95 = tpu.memref_squeeze %dma_wait3A_94 : memref<1x200x64xf32, #tpu.memory_space<vmem>> -> memref<200x64xf32, #tpu.memory_space<vmem>>
    %dma_wait3A_96 = arith.constant 0 : i32
    %dma_wait3A_97 = arith.constant 0 : i32
    %dma_wait3A_98 = tpu.memref_slice %arg5[%add3A_89, %dma_wait3A_96, %dma_wait3A_97] : memref<4096x200x64xf32, #tpu.memory_space<hbm>> -> memref<1x200x64xf32, #tpu.memory_space<hbm>>
    %dma_wait3A_99 = tpu.memref_squeeze %dma_wait3A_98 : memref<1x200x64xf32, #tpu.memory_space<hbm>> -> memref<200x64xf32, #tpu.memory_space<hbm>>
    %dma_wait3A_100 = tpu.memref_slice %arg10[%dma_wait3A_91] : memref<4x!tpu.dma_semaphore, #tpu.memory_space<semaphore_mem>> -> memref<1x!tpu.dma_semaphore, #tpu.memory_space<semaphore_mem>>
    %dma_wait3A_101 = tpu.memref_squeeze %dma_wait3A_100 : memref<1x!tpu.dma_semaphore, #tpu.memory_space<semaphore_mem>> -> memref<!tpu.dma_semaphore, #tpu.memory_space<semaphore_mem>>
    %dma_wait3A_102 = arith.constant 0 : i32
    %dma_wait3A_103 = arith.constant 0 : i32
    %dma_wait3A_104 = tpu.memref_slice %arg5[%add3A_89, %dma_wait3A_102, %dma_wait3A_103] : memref<4096x200x64xf32, #tpu.memory_space<hbm>> -> memref<1x200x64xf32, #tpu.memory_space<hbm>>
    %dma_wait3A_105 = tpu.memref_squeeze %dma_wait3A_104 : memref<1x200x64xf32, #tpu.memory_space<hbm>> -> memref<200x64xf32, #tpu.memory_space<hbm>>
    %dma_wait3A_106 = arith.constant 0 : i32
    %dma_wait3A_107 = arith.constant 0 : i32
    %dma_wait3A_108 = tpu.memref_slice %arg8[%dma_wait3A_90, %dma_wait3A_106, %dma_wait3A_107] : memref<4x200x64xf32, #tpu.memory_space<vmem>> -> memref<1x200x64xf32, #tpu.memory_space<vmem>>
    %dma_wait3A_109 = tpu.memref_squeeze %dma_wait3A_108 : memref<1x200x64xf32, #tpu.memory_space<vmem>> -> memref<200x64xf32, #tpu.memory_space<vmem>>
    tpu.wait_dma2 semaphore(%dma_wait3A_101 : memref<!tpu.dma_semaphore, #tpu.memory_space<semaphore_mem>>) src(%dma_wait3A_109 : memref<200x64xf32, #tpu.memory_space<vmem>>) dst(%dma_wait3A_105 : memref<200x64xf32, #tpu.memory_space<hbm>>)
    %add3A_110 = arith.constant 126 : i32
    %add3A_111 = arith.addi %mul3A_2, %add3A_110 : i32
    %dma_wait3A_112 = arith.constant 2 : i32
    %dma_wait3A_113 = arith.constant 2 : i32
    %dma_wait3A_114 = arith.constant 0 : i32
    %dma_wait3A_115 = arith.constant 0 : i32
    %dma_wait3A_116 = tpu.memref_slice %arg8[%dma_wait3A_112, %dma_wait3A_114, %dma_wait3A_115] : memref<4x200x64xf32, #tpu.memory_space<vmem>> -> memref<1x200x64xf32, #tpu.memory_space<vmem>>
    %dma_wait3A_117 = tpu.memref_squeeze %dma_wait3A_116 : memref<1x200x64xf32, #tpu.memory_space<vmem>> -> memref<200x64xf32, #tpu.memory_space<vmem>>
    %dma_wait3A_118 = arith.constant 0 : i32
    %dma_wait3A_119 = arith.constant 0 : i32
    %dma_wait3A_120 = tpu.memref_slice %arg5[%add3A_111, %dma_wait3A_118, %dma_wait3A_119] : memref<4096x200x64xf32, #tpu.memory_space<hbm>> -> memref<1x200x64xf32, #tpu.memory_space<hbm>>
    %dma_wait3A_121 = tpu.memref_squeeze %dma_wait3A_120 : memref<1x200x64xf32, #tpu.memory_space<hbm>> -> memref<200x64xf32, #tpu.memory_space<hbm>>
    %dma_wait3A_122 = tpu.memref_slice %arg10[%dma_wait3A_113] : memref<4x!tpu.dma_semaphore, #tpu.memory_space<semaphore_mem>> -> memref<1x!tpu.dma_semaphore, #tpu.memory_space<semaphore_mem>>
    %dma_wait3A_123 = tpu.memref_squeeze %dma_wait3A_122 : memref<1x!tpu.dma_semaphore, #tpu.memory_space<semaphore_mem>> -> memref<!tpu.dma_semaphore, #tpu.memory_space<semaphore_mem>>
    %dma_wait3A_124 = arith.constant 0 : i32
    %dma_wait3A_125 = arith.constant 0 : i32
    %dma_wait3A_126 = tpu.memref_slice %arg5[%add3A_111, %dma_wait3A_124, %dma_wait3A_125] : memref<4096x200x64xf32, #tpu.memory_space<hbm>> -> memref<1x200x64xf32, #tpu.memory_space<hbm>>
    %dma_wait3A_127 = tpu.memref_squeeze %dma_wait3A_126 : memref<1x200x64xf32, #tpu.memory_space<hbm>> -> memref<200x64xf32, #tpu.memory_space<hbm>>
    %dma_wait3A_128 = arith.constant 0 : i32
    %dma_wait3A_129 = arith.constant 0 : i32
    %dma_wait3A_130 = tpu.memref_slice %arg8[%dma_wait3A_112, %dma_wait3A_128, %dma_wait3A_129] : memref<4x200x64xf32, #tpu.memory_space<vmem>> -> memref<1x200x64xf32, #tpu.memory_space<vmem>>
    %dma_wait3A_131 = tpu.memref_squeeze %dma_wait3A_130 : memref<1x200x64xf32, #tpu.memory_space<vmem>> -> memref<200x64xf32, #tpu.memory_space<vmem>>
    tpu.wait_dma2 semaphore(%dma_wait3A_123 : memref<!tpu.dma_semaphore, #tpu.memory_space<semaphore_mem>>) src(%dma_wait3A_131 : memref<200x64xf32, #tpu.memory_space<vmem>>) dst(%dma_wait3A_127 : memref<200x64xf32, #tpu.memory_space<hbm>>)
    %add3A_132 = arith.constant 127 : i32
    %add3A_133 = arith.addi %mul3A_2, %add3A_132 : i32
    %dma_wait3A_134 = arith.constant 3 : i32
    %dma_wait3A_135 = arith.constant 3 : i32
    %dma_wait3A_136 = arith.constant 0 : i32
    %dma_wait3A_137 = arith.constant 0 : i32
    %dma_wait3A_138 = tpu.memref_slice %arg8[%dma_wait3A_134, %dma_wait3A_136, %dma_wait3A_137] : memref<4x200x64xf32, #tpu.memory_space<vmem>> -> memref<1x200x64xf32, #tpu.memory_space<vmem>>
    %dma_wait3A_139 = tpu.memref_squeeze %dma_wait3A_138 : memref<1x200x64xf32, #tpu.memory_space<vmem>> -> memref<200x64xf32, #tpu.memory_space<vmem>>
    %dma_wait3A_140 = arith.constant 0 : i32
    %dma_wait3A_141 = arith.constant 0 : i32
    %dma_wait3A_142 = tpu.memref_slice %arg5[%add3A_133, %dma_wait3A_140, %dma_wait3A_141] : memref<4096x200x64xf32, #tpu.memory_space<hbm>> -> memref<1x200x64xf32, #tpu.memory_space<hbm>>
    %dma_wait3A_143 = tpu.memref_squeeze %dma_wait3A_142 : memref<1x200x64xf32, #tpu.memory_space<hbm>> -> memref<200x64xf32, #tpu.memory_space<hbm>>
    %dma_wait3A_144 = tpu.memref_slice %arg10[%dma_wait3A_135] : memref<4x!tpu.dma_semaphore, #tpu.memory_space<semaphore_mem>> -> memref<1x!tpu.dma_semaphore, #tpu.memory_space<semaphore_mem>>
    %dma_wait3A_145 = tpu.memref_squeeze %dma_wait3A_144 : memref<1x!tpu.dma_semaphore, #tpu.memory_space<semaphore_mem>> -> memref<!tpu.dma_semaphore, #tpu.memory_space<semaphore_mem>>
    %dma_wait3A_146 = arith.constant 0 : i32
    %dma_wait3A_147 = arith.constant 0 : i32
    %dma_wait3A_148 = tpu.memref_slice %arg5[%add3A_133, %dma_wait3A_146, %dma_wait3A_147] : memref<4096x200x64xf32, #tpu.memory_space<hbm>> -> memref<1x200x64xf32, #tpu.memory_space<hbm>>
    %dma_wait3A_149 = tpu.memref_squeeze %dma_wait3A_148 : memref<1x200x64xf32, #tpu.memory_space<hbm>> -> memref<200x64xf32, #tpu.memory_space<hbm>>
    %dma_wait3A_150 = arith.constant 0 : i32
    %dma_wait3A_151 = arith.constant 0 : i32
    %dma_wait3A_152 = tpu.memref_slice %arg8[%dma_wait3A_134, %dma_wait3A_150, %dma_wait3A_151] : memref<4x200x64xf32, #tpu.memory_space<vmem>> -> memref<1x200x64xf32, #tpu.memory_space<vmem>>
    %dma_wait3A_153 = tpu.memref_squeeze %dma_wait3A_152 : memref<1x200x64xf32, #tpu.memory_space<vmem>> -> memref<200x64xf32, #tpu.memory_space<vmem>>
    tpu.wait_dma2 semaphore(%dma_wait3A_145 : memref<!tpu.dma_semaphore, #tpu.memory_space<semaphore_mem>>) src(%dma_wait3A_153 : memref<200x64xf32, #tpu.memory_space<vmem>>) dst(%dma_wait3A_149 : memref<200x64xf32, #tpu.memory_space<hbm>>)
    return
  }
}

</mosaic_0001>

<sc_bundles>
// kernel: kernel.3.cloned.1.call-start
scs
__scs_entry_jumppad:
0x0: {  	(pc) =	sbr.rel $0x88, $3  }
0x1: {  	(tag) =	ssettag $0x0;
	lr =	simm.s32 $0x1  }
0x2: {  	[smem:$0x3F9E] =	sst lr;
	_ =	strace $0xD0000000  }
0x3: {  	_ = 	snop  }
0x4: {  	_ = 	snop  }
0x5: {  	_ = 	snop  }
0x6: {  	_ = 	snop  }
0x7: {  	_ = 	snop  }
__scs_overlays_trampoline_lowered:
0x8: {  	[smem:$0x3FAD] =	sst s0  }
0x9: {  	[smem:$0x3FAE] =	sst s1  }
0xa: {  	[smem:$0x3FAF] =	sst s2  }
0xb: {  	[smem:$0x3FB0] =	sst s3  }
0xc: {  	[smem:$0x3FB1] =	sst s4  }
0xd: {  	[smem:$0x3FB2] =	sst s5  }
0xe: {  	[smem:$0x3FB3] =	sst s6  }
0xf: {  	[smem:$0x3FB4] =	sst s7  }
0x10: {  	[smem:$0x3FB5] =	sst s8  }
0x11: {  	[smem:$0x3FB6] =	sst s9;
	s0 =	simm.s32 @!p0 $0x0  }
0x12: {  	s1 =	sld [smem:$0x3F9C];
	s0 =	simm.s32 @p0 $0x1  }
0x13: {  	[smem:$0x3FB7] =	sst s0;
	s0 =	simm.s32 @!p1 $0x0  }
0x14: {  	s2 =	sld [smem:$0x3F9B];
	s0 =	simm.s32 @p1 $0x1  }
0x15: {  	[smem:$0x3FB8] =	sst s0;
	s0 =	simm.s32 @!p2 $0x0  }
0x16: {  	s3 =	sld [smem:$0x3FDB];
	s0 =	simm.s32 @p2 $0x1  }
0x17: {  	s4 =	simm.s32 $0x1BF5;
	[smem:$0x3FBA] =	sst s0  }
0x18: {  	s0 =	sld [smem:$0x3F9D];
	_ =	swait.ge [sflag:s4], $0x0  }
0x19: {  	s7 =	sld [smem:$0x3F9E]  }
0x1a: {  	s8 =	sadd.s32 $0xFFFFE003, lr  }
0x1b: {  	s9 =	sadd.s32 $0xFFFFFEF7, lr;
	s5 =	simm.s32 $0xFFFFFFFF;
	p2 =	slt.u32 s8, $0xFFFFF086  }
0x1c: {  	p1 =	slt.u32 s9, $0xF7A;
	s5 =	simm.s32 @!p2 $0x0  }
0x1d: {  	s5 =	simm.s32 @p1 $0x1;
	p0 =	seq.s32 s7, s2  }
0x1e: {  	s7 =	smul.u32 @!p0 $0xF7A, s2;
	p2 =	seq.s32 @!p0 s5, $0x0  }
0x1f: {  	s9 =	smul.u32 $0xF7A, s1;
	s8 =	simm.s32 @!p0 $0x1BF5;
	p2 =	por !p2, p0  }
0x20: {  	[sflag:s8] =	ssyncset.s32 @!p0 $0xFFFFF086;
	s6 =	sadd.s32 @!p0 s3, s7;
	s7 =	simm.s32 @!p0 $0x108  }
0x21: {  	s3 =	sadd.s32 s3, s9;
	s6 =	sadd.s32 @!p0 $0x88, s6;
	s7 =	simm.s32 @p2 $0x1082  }
0x22: {  	[simem:s7], [sflag:s8] =	dma.local @!p0 [hbm:s6], $0xF7A  }
0x23: {  	s9 =	sor.u32 $0xD0000000, s2;
	s6 =	simm.s32 $0x108;
	_ =	swait.ge @!p0 [sflag:s8], $0x0  }
0x24: {  	s3 =	sadd.s32 $0x88, s3;
	s6 =	simm.s32 @!p1 $0x1082;
	[sflag:s4] =	ssyncset.s32 $0xFFFFF086  }
0x25: {  	[simem:s6], [sflag:s4] =	dma.local [hbm:s3], $0xF7A  }
0x26: {  	[smem:$0x3F9E] =	sst s1;
	(tag) =	ssettag s2;
	_ =	strace s9  }
0x27: {  	s1 =	sld [smem:$0x3FAE]  }
0x28: {  	s2 =	sld [smem:$0x3FAF]  }
0x29: {  	s4 =	sld [smem:$0x3FB1]  }
0x2a: {  	p0 =	seq.s32 s5, $0x0;
	s5 =	sld [smem:$0x3FB2]  }
0x2b: {  	s6 =	sld [smem:$0x3FB3]  }
0x2c: {  	s7 =	sld [smem:$0x3FB4]  }
0x2d: {  	s3 =	simm.s32 $0x108;
	s8 =	sld [smem:$0x3FB5]  }
0x2e: {  	s3 =	simm.s32 @!p0 $0x1082;
	s9 =	sld [smem:$0x3FB6]  }
0x2f: {  	lr =	sadd.s32 s0, s3;
	s0 =	sld [smem:$0x3FAD]  }
0x30: {  	s3 =	sld [smem:$0x3FB0]  }
0x31: {  	[smem:$0x3FB9] =	sst s10  }
0x32: {  	s10 =	sld [smem:$0x3FB7];
	_ =	sdelay $0x3  }
0x33: {  	p0 =	seq.s32 s10, $0x1;
	s10 =	sld [smem:$0x3FB9];
	_ =	sdelay $0x3  }
0x34: {  	[smem:$0x3FB9] =	sst s10  }
0x35: {  	s10 =	sld [smem:$0x3FB8];
	_ =	sdelay $0x3  }
0x36: {  	p1 =	seq.s32 s10, $0x1;
	s10 =	sld [smem:$0x3FB9];
	_ =	sdelay $0x3  }
0x37: {  	[smem:$0x3FB9] =	sst s10  }
0x38: {  	s10 =	sld [smem:$0x3FBA]  }
0x39: {  	_ = 	snop;
	(pc) =	sbr.ind lr, $3  }
0x3a: {  	_ = 	snop  }
0x3b: {  	_ = 	snop  }
0x3c: {  	p2 =	seq.s32 s10, $0x1;
	s10 =	sld [smem:$0x3FB9]  }
0x3d: {  	_ =	shalt  }
0x3e: {  	_ =	shalt  }
0x3f: {  	_ =	shalt  }
0x40: {  	_ =	shalt  }
0x41: {  	_ =	shalt  }
0x42: {  	_ =	shalt  }
0x43: {  	_ =	shalt  }
0x44: {  	_ =	shalt  }
0x45: {  	_ =	shalt  }
0x46: {  	_ =	shalt  }
0x47: {  	_ =	shalt  }
0x48: {  	_ =	shalt  }
0x49: {  	_ =	shalt  }
0x4a: {  	_ =	shalt  }
0x4b: {  	_ =	shalt  }
0x4c: {  	_ =	shalt  }
0x4d: {  	_ =	shalt  }
0x4e: {  	_ =	shalt  }
0x4f: {  	_ =	shalt  }
0x50: {  	_ =	shalt  }
0x51: {  	_ =	shalt  }
0x52: {  	_ =	shalt  }
0x53: {  	_ =	shalt  }
0x54: {  	_ =	shalt  }
0x55: {  	_ =	shalt  }
0x56: {  	_ =	shalt  }
0x57: {  	_ =	shalt  }
0x58: {  	_ =	shalt  }
0x59: {  	_ =	shalt  }
0x5a: {  	_ =	shalt  }
0x5b: {  	_ =	shalt  }
0x5c: {  	_ =	shalt  }
0x5d: {  	_ =	shalt  }
0x5e: {  	_ =	shalt  }
0x5f: {  	_ =	shalt  }
0x60: {  	_ =	shalt  }
0x61: {  	_ =	shalt  }
0x62: {  	_ =	shalt  }
0x63: {  	_ =	shalt  }
0x64: {  	_ =	shalt  }
0x65: {  	_ =	shalt  }
0x66: {  	_ =	shalt  }
0x67: {  	_ =	shalt  }
0x68: {  	_ =	shalt  }
0x69: {  	_ =	shalt  }
0x6a: {  	_ =	shalt  }
0x6b: {  	_ =	shalt  }
0x6c: {  	_ =	shalt  }
0x6d: {  	_ =	shalt  }
0x6e: {  	_ =	shalt  }
0x6f: {  	_ =	shalt  }
0x70: {  	_ =	shalt  }
0x71: {  	_ =	shalt  }
0x72: {  	_ =	shalt  }
0x73: {  	_ =	shalt  }
0x74: {  	_ =	shalt  }
0x75: {  	_ =	shalt  }
0x76: {  	_ =	shalt  }
0x77: {  	_ =	shalt  }
0x78: {  	_ =	shalt  }
0x79: {  	_ =	shalt  }
0x7a: {  	_ =	shalt  }
0x7b: {  	_ =	shalt  }
0x7c: {  	_ =	shalt  }
0x7d: {  	_ =	shalt  }
0x7e: {  	_ =	shalt  }
0x7f: {  	_ =	shalt  }
0x80: {  	_ =	shalt  }
0x81: {  	_ =	shalt  }
0x82: {  	_ =	shalt  }
0x83: {  	_ =	shalt  }
0x84: {  	_ =	shalt  }
0x85: {  	_ =	shalt  }
0x86: {  	_ =	shalt  }
0x87: {  	_ =	shalt  }
.Lfunc_end0:
.L_simem_size_0:
called_computation.1_lowered:
.L_overlay_start_0:
0x88: {  	s2 =	sld [smem:$0x3FD9]  }
0x89: {  	s3 =	sld [smem:$0x3FFE];
	_ =	sdelay $0x1  }
0x8a: {  	s1 =	srdreg.scid  }
0x8b: {  	s0 =	sand.u32 $0x1, s1  }
0x8c: {  	s17 =	sshll.u32 s0, $0xA;
	s2 =	sadd.s32 s3, s2  }
0x8d: {  	s2 =	sadd.s32 s2, s17  }
0x8e: {  	[smem:$0x3FC5] =	sst s2  }
0x8f: {  	_ = 	snop  }
0x90: {  	s2 =	sld [smem:$0x3FD0];
	(tm) =	ssettm $0x1  }
0x91: {  	s18 =	sld [smem:$0x3FFB];
	_ =	sdelay $0x3  }
0x92: {  	_ =	strace s18  }
0x93: {  	s3 =	sld [smem:$0x3FFC];
	_ =	sdelay $0x3  }
0x94: {  	_ =	strace s3  }
0x95: {  	s3 =	sld [smem:$0x3FFD];
	_ =	sdelay $0x3  }
0x96: {  	_ =	strace s3  }
0x97: {  	_ =	strace $0x8FFFFFFF  }
0x98: {  	s19 =	sld [smem:$0x3FDB];
	_ =	sdelay $0x1  }
0x99: {  	s4 =	simm.s32 $_scs_section_size  }
0x9a: {  	s5 =	simm.s32 $_size__tile_overlayer_lowered;
	s6 =	simm.s32 $_tile_overlayer_lowered  }
0x9b: {  	s22 =	simm.s32 $0x1BFF;
	s21 =	sshll.u32 s6, $0x1;
	s3 =	sadd.s32 s4, s19  }
0x9c: {  	s7 =	simm.s32 $0x0;
	s20 =	sshll.u32 s5, $0x1;
	s5 =	sadd.s32 s21, s3  }
0x9d: {  	[timem:s7], [sflag:s22] =	dma.local [hbm:s5], s20  }
0x9e: {  	_ =	swait.ge [sflag:s22], s20  }
0x9f: {  	s4 =	ssub.s32 $0x0, s20;
	[sflag:s22] =	ssyncset.done $0x0  }
0xa0: {  	[sflag:s22] =	ssyncadd.s32 s4;
	_ =	sdelay $0x1  }
0xa1: {  	s23 =	simm.s32 $0x1B8B  }
0xa2: {  	_ =	swait.ge [sflag:s23], $0x1  }
0xa3: {  	[sflag:s23] =	ssyncset.done $0x0  }
0xa4: {  	s25 =	simm.s32 $0x1B8E;
	s24 =	sld [smem:$0x3FFE];
	[sflag:s23] =	ssyncadd.s32 $0xFFFFFFFF  }
0xa5: {  	s26 =	simm.s32 $execute0_lowered;
	[smem:$0x3FD2] =	sst s25  }
0xa6: {  	s5 =	sshll.u32 s26, $0x1;
	_ =	strace $0x80000046;
	[dreg:$0x1] =	wrdreg $0xFFFFFFFF  }
0xa7: {  	s28 =	simm.s32 $_size_execute0_lowered;
	s3 =	sadd.s32 s3, s5;
	[dreg:$0x0] =	wrdreg $0x0  }
0xa8: {  	s5 =	sshll.u32 s28, $0x1;
	[dreg:$0x2] =	wrdreg s3  }
0xa9: {  	[dreg:$0x3] =	wrdreg s5  }
0xaa: {  	[dreg:$0x4] =	wrdreg $0xC0  }
0xab: {  	_ =	task [dreg:s7], $0x5FFFF  }
0xac: {  	[dreg:$0x1] =	wrdreg $0xFFFFFFFF  }
0xad: {  	[dreg:$0x0] =	wrdreg $0x60  }
0xae: {  	[dreg:$0x2] =	wrdreg s24  }
0xaf: {  	[dreg:$0x3] =	wrdreg s2  }
0xb0: {  	[dreg:$0x4] =	wrdreg $0x9  }
0xb1: {  	_ =	task.clear_ibuf [dreg:s7], $0x5FFFF;
	_ =	strace $0x90000046  }
0xb2: {  	s29 =	simm.s32 $0x9;
	_ =	strace $0x80000048  }
0xb3: {  	_ =	swait.ge [sflag:s29], $0x1  }
0xb4: {  	[sflag:s29] =	ssyncadd.s32 $0xFFFFFFFF  }
0xb5: {  	_ =	strace $0x90000048  }
0xb6: {  	_ =	sfence  }
0xb7: {  	s30 =	sld [smem:$0x0];
	_ =	sdelay $0x2  }
0xb8: {  	s31 =	sshll.u32 s1, $0xD;
	s1 =	sshrl.u32 s1, $0x2  }
0xb9: {  	s3 =	sand.u32 $0x4000, s31;
	s1 =	sadd.s32 s1, s30  }
0xba: {  	s0 =	sor.u32 s3, s0;
	s1 =	sshll.u32 s1, $0x11  }
0xbb: {  	s0 =	sor.u32 s1, s0  }
0xbc: {  	s0 =	sadd.s32 $0x8F2B, s0  }
0xbd: {  	[sflag:s0] =	ssyncadd.remote.s32 $0x1  }
0xbe: {  	_ =	sfence.sel $0xFFFF  }
0xbf: {  	[dreg:$0x0] =	wrdreg $0xFFFFFFFF;
	(pc) =	sbr.abs _section_cstart, $3  }
0xc0: {  	[dreg:$0x1] =	wrdreg $0xFFFFFFFF  }
0xc1: {  	_ =	task.clear_ibuf [dreg:s7], $0x2FFFF;
	_ =	strace $0x9FFFFFFF  }
0xc2: {  	(tm) =	ssettm $0x7FFFFFFF  }
0xc3: {  	_ =	shalt  }
tec
execute0_lowered:
.L_overlay_start_1:
0x0: {  	(tag) =	ssettag $0x1  }
0x1: {  	s0 =	srdreg.scid  }
0x2: {  	s1 =	rddreg [dreg:$0x0];
	s3 =	stileid.u32  }
0x3: {  	s2 =	rddreg [dreg:$0x1];
	s9 =	simm.s32 $0x9;
	s11 =	simm.s32 $0x68  }
0x4: {  	s12 =	simm.s32 $0x9600;
	s13 =	simm.s32 $0x60;
	s16 =	simm.s32 $0xC800  }
0x5: {  	s19 =	simm.s32 $0xFA00;
	s20 =	simm.s32 $0x11400;
	s21 =	simm.s32 $0x1  }
0x6: {  	s22 =	simm.s32 $0x12C00;
	s23 =	simm.s32 $0x14600;
	s24 =	simm.s32 $0x2  }
0x7: {  	s25 =	simm.s32 $0x3;
	s26 =	simm.s32 $0x4;
	s28 =	simm.s32 $0x5  }
0x8: {  	s29 =	simm.s32 $0x6;
	s30 =	simm.s32 $0x7;
	s0 =	sand.u32 $0x1, s0  }
0x9: {  	s31 =	simm.s32 $0x8;
	s4 =	sshll.u32 s3, $0x8;
	s5 =	sshll.u32 s0, $0x7  }
0xa: {  	s3 =	simm.s32 $0x0;
	s6 =	sadd.s32 $0x19C00, s1;
	s4 =	sor.u32 s5, s4  }
0xb: {  	[smem:$0x7FF] =	sst s3;
	s0 =	ssub.s32 $0x2, s0;
	s5 =	smul.u32 $0x19, s4  }
0xc: {  	_ =	strace $0x80000047;
	[dreg:$0x3] =	wrdreg s6;
	s7 =	sshrl.u32 s0, $0x1  }
0xd: {  	s6 =	sadd.s32 $0xF43000, s1;
	s0 =	ssub.s32 s0, s7;
	s5 =	sadd.s32 s5, s1  }
0xe: {  	s8 =	smax.u32 s0, $0x1;
	s1 =	simm.s32 $0x0;
	s7 =	sadd.s32 $0xC00, s5  }
.LBB2_1:
0xf: {  	[tilespmem:s3], [sflag:$0x9] =	stream.linear.gather [hbm4b:s7+s3], $0x6400, $0x38;
	[tilespmem:$0x15E00] =	vst v63  }
0x10: {  	_ =	swait.ge [sflag:s9], $0x6400  }
0x11: {  	[sflag:s9] =	ssyncset.done $0x0  }
0x12: {  	s5 =	simm.s32 $0x6400;
	s0 =	rddreg [dreg:$0x3];
	[sflag:s9] =	ssyncadd.s32 $0xFFFF9C00  }
0x13: {  	[tilespmem:s5], [sflag:$0x9] =	stream.linear.gather [hbm4b:s0+s3], $0x3200, $0x38;
	[tilespmem:$0x15E00] =	vst v63  }
0x14: {  	_ =	swait.ge [sflag:s9], $0x3200  }
0x15: {  	[sflag:s9] =	ssyncset.done $0x0  }
0x16: {  	[sflag:s9] =	ssyncadd.s32 $0xFFFFCE00  }
0x17: {  	[tilespmem:s12], [sflag:$0x1] =	stream.indirect.gather [hbm4b:s6+s11], $0x40, s3, s11, $0xb8;
	[tilespmem:$0x15E00] =	vst v63  }
0x18: {  	s14 =	simm.s32 $0xB000  }
0x19: {  	[tilespmem:s14], [sflag:$0x1] =	stream.indirect.gather [hbm4b:s6+s13], $0x40, s11, s13, $0xb8;
	[tilespmem:$0x15E00] =	vst v63  }
0x1a: {  	s15 =	simm.s32 $0xC8  }
0x1b: {  	[tilespmem:s16], [sflag:$0x2] =	stream.indirect.gather [hbm4b:s6+s11], $0x40, s15, s11, $0xb8;
	[tilespmem:$0x15E00] =	vst v63  }
0x1c: {  	s17 =	simm.s32 $0x130;
	s18 =	simm.s32 $0xE200;
	s0 =	simm.s32 $0x0  }
0x1d: {  	[tilespmem:s18], [sflag:$0x2] =	stream.indirect.gather [hbm4b:s6+s13], $0x40, s17, s13, $0xb8;
	[tilespmem:$0x15E00] =	vst v63  }
.LBB2_2:
0x1e: {  	s15 =	sshll.u32 s0, $0x2;
	p0 =	seq.s32 s0, $0x0  }
0x1f: {  	s14 =	sor.u32 $0x2, s15;
	s5 =	simm.s32 @!p0 $0x7  }
0x20: {  	_ =	swait.ge @!p0 [sflag:s5], $0x3200;
	s10 =	smul.u32 $0x320, s14  }
0x21: {  	[sflag:s5] =	ssyncset.done @!p0 $0x0  }
0x22: {  	[sflag:s5] =	ssyncadd.s32 @!p0 $0xFFFFCE00;
	s18 =	sshra.s32 s10, $0x2  }
0x23: {  	[tilespmem:s19], [sflag:$0x3] =	stream.indirect.gather [hbm4b:s6+s11], $0x40, s18, s11, $0xb8;
	[tilespmem:$0x15E00] =	vst v63  }
0x24: {  	s5 =	sadd.s32 $0x68, s18  }
0x25: {  	[tilespmem:s20], [sflag:$0x3] =	stream.indirect.gather [hbm4b:s6+s13], $0x40, s5, s13, $0xb8;
	[tilespmem:$0x15E00] =	vst v63  }
0x26: {  	_ =	swait.ge [sflag:s21], $0x1A00  }
0x27: {  	[sflag:s21] =	ssyncset.done $0x0  }
0x28: {  	[sflag:s21] =	ssyncadd.s32 $0xFFFFE600  }
0x29: {  	_ =	swait.ge [sflag:s21], $0x1800  }
0x2a: {  	[sflag:s21] =	ssyncset.done $0x0  }
0x2b: {  	s10 =	simm.s32 $0x0;
	[sflag:s21] =	ssyncadd.s32 $0xFFFFE800  }
0x2c: {  	v0 =	vld [tilespmem:s10+$0x64F0]  }
0x2d: {  	v1 =	vld [tilespmem:s10+$0x6400]  }
0x2e: {  	v2 =	vld [tilespmem:s10+$0x6410]  }
0x2f: {  	v3 =	vld [tilespmem:s10+$0x6420]  }
0x30: {  	v4 =	vld [tilespmem:s10+$0x6430]  }
0x31: {  	v5 =	vld [tilespmem:s10+$0x6440]  }
0x32: {  	v6 =	vld [tilespmem:s10+$0x6450]  }
0x33: {  	v7 =	vld [tilespmem:s10+$0x6460]  }
0x34: {  	v8 =	vld [tilespmem:s10+$0x6470]  }
0x35: {  	v9 =	vld [tilespmem:s10+$0x6480]  }
0x36: {  	v10 =	vld [tilespmem:s10+$0x6490]  }
0x37: {  	v11 =	vld [tilespmem:s10+$0x64A0]  }
0x38: {  	v12 =	vld [tilespmem:s10+$0x64B0]  }
0x39: {  	v13 =	vld [tilespmem:s10+$0x64C0]  }
0x3a: {  	v14 =	vld [tilespmem:s10+$0x64D0]  }
0x3b: {  	[tilespmem:s10+$0x96F0] =	vst.add.f32.msk $0xffff, v0  }
0x3c: {  	v0 =	vld [tilespmem:s10+$0x64E0]  }
0x3d: {  	[tilespmem:s10+$0x9600] =	vst.add.f32.msk $0xffff, v1  }
0x3e: {  	[tilespmem:s10+$0x9610] =	vst.add.f32.msk $0xffff, v2  }
0x3f: {  	[tilespmem:s10+$0x9620] =	vst.add.f32.msk $0xffff, v3  }
0x40: {  	[tilespmem:s10+$0x9630] =	vst.add.f32.msk $0xffff, v4  }
0x41: {  	[tilespmem:s10+$0x9640] =	vst.add.f32.msk $0xffff, v5  }
0x42: {  	[tilespmem:s10+$0x9650] =	vst.add.f32.msk $0xffff, v6  }
0x43: {  	[tilespmem:s10+$0x9660] =	vst.add.f32.msk $0xffff, v7  }
0x44: {  	[tilespmem:s10+$0x9670] =	vst.add.f32.msk $0xffff, v8  }
0x45: {  	[tilespmem:s10+$0x9680] =	vst.add.f32.msk $0xffff, v9  }
0x46: {  	[tilespmem:s10+$0x9690] =	vst.add.f32.msk $0xffff, v10  }
0x47: {  	[tilespmem:s10+$0x96A0] =	vst.add.f32.msk $0xffff, v11  }
0x48: {  	[tilespmem:s10+$0x96B0] =	vst.add.f32.msk $0xffff, v12  }
0x49: {  	[tilespmem:s10+$0x96C0] =	vst.add.f32.msk $0xffff, v13  }
0x4a: {  	s17 =	simm.s32 $0x0;
	s18 =	simm.s32 $0x400;
	[tilespmem:s10+$0x96D0] =	vst.add.f32.msk $0xffff, v14  }
.LBB2_3:
0x4b: {  	s17 =	sadd.s32 $0x4, s17;
	[tilespmem:s10+$0x96E0] =	vst.add.f32.msk $0xffff, v0;
	s10 =	sshra.s32 s18, $0x2  }
0x4c: {  	v0 =	vld [tilespmem:s10+$0x64F0];
	p1 =	slt.u32 s17, $0xC4  }
0x4d: {  	v1 =	vld [tilespmem:s10+$0x6400]  }
0x4e: {  	v2 =	vld [tilespmem:s10+$0x6410]  }
0x4f: {  	v3 =	vld [tilespmem:s10+$0x6420]  }
0x50: {  	v4 =	vld [tilespmem:s10+$0x6430]  }
0x51: {  	[tilespmem:s10+$0x96F0] =	vst.add.f32.msk $0xffff, v0  }
0x52: {  	v5 =	vld [tilespmem:s10+$0x6440]  }
0x53: {  	v6 =	vld [tilespmem:s10+$0x6450]  }
0x54: {  	v7 =	vld [tilespmem:s10+$0x6460]  }
0x55: {  	v8 =	vld [tilespmem:s10+$0x6470]  }
0x56: {  	v9 =	vld [tilespmem:s10+$0x6480]  }
0x57: {  	v10 =	vld [tilespmem:s10+$0x6490]  }
0x58: {  	v11 =	vld [tilespmem:s10+$0x64A0]  }
0x59: {  	v12 =	vld [tilespmem:s10+$0x64B0]  }
0x5a: {  	v13 =	vld [tilespmem:s10+$0x64C0]  }
0x5b: {  	v14 =	vld [tilespmem:s10+$0x64D0]  }
0x5c: {  	v0 =	vld [tilespmem:s10+$0x64E0]  }
0x5d: {  	[tilespmem:s10+$0x9600] =	vst.add.f32.msk $0xffff, v1  }
0x5e: {  	[tilespmem:s10+$0x9610] =	vst.add.f32.msk $0xffff, v2  }
0x5f: {  	[tilespmem:s10+$0x9620] =	vst.add.f32.msk $0xffff, v3  }
0x60: {  	[tilespmem:s10+$0x9630] =	vst.add.f32.msk $0xffff, v4  }
0x61: {  	[tilespmem:s10+$0x9640] =	vst.add.f32.msk $0xffff, v5  }
0x62: {  	[tilespmem:s10+$0x9650] =	vst.add.f32.msk $0xffff, v6  }
0x63: {  	[tilespmem:s10+$0x9660] =	vst.add.f32.msk $0xffff, v7  }
0x64: {  	[tilespmem:s10+$0x9670] =	vst.add.f32.msk $0xffff, v8  }
0x65: {  	[tilespmem:s10+$0x9680] =	vst.add.f32.msk $0xffff, v9  }
.Ltmp0:
0x66: {  	[tilespmem:s10+$0x9690] =	vst.add.f32.msk $0xffff, v10;
	(pc) =	sbr.rel @p1 .LBB2_3-.Ltmp0, $4  }
0x67: {  	[tilespmem:s10+$0x96A0] =	vst.add.f32.msk $0xffff, v11  }
0x68: {  	[tilespmem:s10+$0x96B0] =	vst.add.f32.msk $0xffff, v12  }
0x69: {  	[tilespmem:s10+$0x96C0] =	vst.add.f32.msk $0xffff, v13  }
0x6a: {  	s18 =	sadd.s32 $0x400, s18;
	[tilespmem:s10+$0x96D0] =	vst.add.f32.msk $0xffff, v14  }
0x6b: {  	s5 =	sadd.s32 s4, s15  }
0x6c: {  	s5 =	smul.u32 $0x640, s5;
	_ =	sdelay $0x1  }
0x6d: {  	[tilespmem:s10+$0x96E0] =	vst.add.f32.msk $0xffff, v0;
	s5 =	sadd.s32 s2, s5  }
0x6e: {  	[hbm4b:s5+s3] =	stream.linear.scatter [tilespmem:s12], [sflag:$0x5], $0x3200, $0x38;
	[tilespmem:$0x15E00] =	vst v63  }
0x6f: {  	s10 =	sor.u32 $0x3, s15;
	s5 =	simm.s32 @!p0 $0x8  }
0x70: {  	s17 =	smul.u32 $0x320, s10;
	_ =	swait.ge @!p0 [sflag:s5], $0x3200  }
0x71: {  	[sflag:s5] =	ssyncset.done @!p0 $0x0  }
0x72: {  	s18 =	sshra.s32 s17, $0x2;
	[sflag:s5] =	ssyncadd.s32 @!p0 $0xFFFFCE00  }
0x73: {  	[tilespmem:s22], [sflag:$0x4] =	stream.indirect.gather [hbm4b:s6+s11], $0x40, s18, s11, $0xb8;
	[tilespmem:$0x15E00] =	vst v63  }
0x74: {  	s5 =	sadd.s32 $0x68, s18  }
0x75: {  	[tilespmem:s23], [sflag:$0x4] =	stream.indirect.gather [hbm4b:s6+s13], $0x40, s5, s13, $0xb8;
	[tilespmem:$0x15E00] =	vst v63  }
0x76: {  	_ =	swait.ge [sflag:s24], $0x1A00  }
0x77: {  	[sflag:s24] =	ssyncset.done $0x0  }
0x78: {  	[sflag:s24] =	ssyncadd.s32 $0xFFFFE600  }
0x79: {  	_ =	swait.ge [sflag:s24], $0x1800  }
0x7a: {  	[sflag:s24] =	ssyncset.done $0x0  }
0x7b: {  	s17 =	simm.s32 $0x0;
	[sflag:s24] =	ssyncadd.s32 $0xFFFFE800  }
0x7c: {  	v0 =	vld [tilespmem:s17+$0x64F0]  }
0x7d: {  	v1 =	vld [tilespmem:s17+$0x6400]  }
0x7e: {  	v2 =	vld [tilespmem:s17+$0x6410]  }
0x7f: {  	v3 =	vld [tilespmem:s17+$0x6420]  }
0x80: {  	v4 =	vld [tilespmem:s17+$0x6430]  }
0x81: {  	v5 =	vld [tilespmem:s17+$0x6440]  }
0x82: {  	v6 =	vld [tilespmem:s17+$0x6450]  }
0x83: {  	v7 =	vld [tilespmem:s17+$0x6460]  }
0x84: {  	v8 =	vld [tilespmem:s17+$0x6470]  }
0x85: {  	v9 =	vld [tilespmem:s17+$0x6480]  }
0x86: {  	v10 =	vld [tilespmem:s17+$0x6490]  }
0x87: {  	v11 =	vld [tilespmem:s17+$0x64A0]  }
0x88: {  	v12 =	vld [tilespmem:s17+$0x64B0]  }
0x89: {  	v13 =	vld [tilespmem:s17+$0x64C0]  }
0x8a: {  	v14 =	vld [tilespmem:s17+$0x64D0]  }
0x8b: {  	[tilespmem:s17+$0xC8F0] =	vst.add.f32.msk $0xffff, v0  }
0x8c: {  	v0 =	vld [tilespmem:s17+$0x64E0]  }
0x8d: {  	[tilespmem:s17+$0xC800] =	vst.add.f32.msk $0xffff, v1  }
0x8e: {  	[tilespmem:s17+$0xC810] =	vst.add.f32.msk $0xffff, v2  }
0x8f: {  	[tilespmem:s17+$0xC820] =	vst.add.f32.msk $0xffff, v3  }
0x90: {  	[tilespmem:s17+$0xC830] =	vst.add.f32.msk $0xffff, v4  }
0x91: {  	[tilespmem:s17+$0xC840] =	vst.add.f32.msk $0xffff, v5  }
0x92: {  	[tilespmem:s17+$0xC850] =	vst.add.f32.msk $0xffff, v6  }
0x93: {  	[tilespmem:s17+$0xC860] =	vst.add.f32.msk $0xffff, v7  }
0x94: {  	[tilespmem:s17+$0xC870] =	vst.add.f32.msk $0xffff, v8  }
0x95: {  	[tilespmem:s17+$0xC880] =	vst.add.f32.msk $0xffff, v9  }
0x96: {  	[tilespmem:s17+$0xC890] =	vst.add.f32.msk $0xffff, v10  }
0x97: {  	[tilespmem:s17+$0xC8A0] =	vst.add.f32.msk $0xffff, v11  }
0x98: {  	[tilespmem:s17+$0xC8B0] =	vst.add.f32.msk $0xffff, v12  }
0x99: {  	[tilespmem:s17+$0xC8C0] =	vst.add.f32.msk $0xffff, v13  }
0x9a: {  	s15 =	sor.u32 $0x1, s15;
	s18 =	simm.s32 $0x0;
	s5 =	simm.s32 $0x400;
	[tilespmem:s17+$0xC8D0] =	vst.add.f32.msk $0xffff, v14  }
.LBB2_5:
0x9b: {  	s18 =	sadd.s32 $0x4, s18;
	[tilespmem:s17+$0xC8E0] =	vst.add.f32.msk $0xffff, v0;
	s17 =	sshra.s32 s5, $0x2  }
0x9c: {  	v0 =	vld [tilespmem:s17+$0x64F0];
	p0 =	slt.u32 s18, $0xC4  }
0x9d: {  	v1 =	vld [tilespmem:s17+$0x6400]  }
0x9e: {  	v2 =	vld [tilespmem:s17+$0x6410]  }
0x9f: {  	v3 =	vld [tilespmem:s17+$0x6420]  }
0xa0: {  	v4 =	vld [tilespmem:s17+$0x6430]  }
0xa1: {  	[tilespmem:s17+$0xC8F0] =	vst.add.f32.msk $0xffff, v0  }
0xa2: {  	v5 =	vld [tilespmem:s17+$0x6440]  }
0xa3: {  	v6 =	vld [tilespmem:s17+$0x6450]  }
0xa4: {  	v7 =	vld [tilespmem:s17+$0x6460]  }
0xa5: {  	v8 =	vld [tilespmem:s17+$0x6470]  }
0xa6: {  	v9 =	vld [tilespmem:s17+$0x6480]  }
0xa7: {  	v10 =	vld [tilespmem:s17+$0x6490]  }
0xa8: {  	v11 =	vld [tilespmem:s17+$0x64A0]  }
0xa9: {  	v12 =	vld [tilespmem:s17+$0x64B0]  }
0xaa: {  	v13 =	vld [tilespmem:s17+$0x64C0]  }
0xab: {  	v14 =	vld [tilespmem:s17+$0x64D0]  }
0xac: {  	v0 =	vld [tilespmem:s17+$0x64E0]  }
0xad: {  	[tilespmem:s17+$0xC800] =	vst.add.f32.msk $0xffff, v1  }
0xae: {  	[tilespmem:s17+$0xC810] =	vst.add.f32.msk $0xffff, v2  }
0xaf: {  	[tilespmem:s17+$0xC820] =	vst.add.f32.msk $0xffff, v3  }
0xb0: {  	[tilespmem:s17+$0xC830] =	vst.add.f32.msk $0xffff, v4  }
0xb1: {  	[tilespmem:s17+$0xC840] =	vst.add.f32.msk $0xffff, v5  }
0xb2: {  	[tilespmem:s17+$0xC850] =	vst.add.f32.msk $0xffff, v6  }
0xb3: {  	[tilespmem:s17+$0xC860] =	vst.add.f32.msk $0xffff, v7  }
0xb4: {  	[tilespmem:s17+$0xC870] =	vst.add.f32.msk $0xffff, v8  }
0xb5: {  	[tilespmem:s17+$0xC880] =	vst.add.f32.msk $0xffff, v9  }
.Ltmp1:
0xb6: {  	[tilespmem:s17+$0xC890] =	vst.add.f32.msk $0xffff, v10;
	(pc) =	sbr.rel @p0 .LBB2_5-.Ltmp1, $4  }
0xb7: {  	[tilespmem:s17+$0xC8A0] =	vst.add.f32.msk $0xffff, v11  }
0xb8: {  	[tilespmem:s17+$0xC8B0] =	vst.add.f32.msk $0xffff, v12  }
0xb9: {  	[tilespmem:s17+$0xC8C0] =	vst.add.f32.msk $0xffff, v13  }
0xba: {  	s5 =	sadd.s32 $0x400, s5;
	[tilespmem:s17+$0xC8D0] =	vst.add.f32.msk $0xffff, v14  }
0xbb: {  	s5 =	sadd.s32 s4, s15  }
0xbc: {  	s5 =	smul.u32 $0x640, s5;
	_ =	sdelay $0x1  }
0xbd: {  	[tilespmem:s17+$0xC8E0] =	vst.add.f32.msk $0xffff, v0;
	p0 =	seq.s32 s0, $0x1F;
	s5 =	sadd.s32 s2, s5  }
0xbe: {  	[hbm4b:s5+s3] =	stream.linear.scatter [tilespmem:s16], [sflag:$0x6], $0x3200, $0x38;
	[tilespmem:$0x15E00] =	vst v63  }
0xbf: {  	s15 =	smul.u32 @!p0 $0xC80, s0;
	s5 =	simm.s32 @!p0 $0x5  }
0xc0: {  	_ =	swait.ge @!p0 [sflag:s5], $0x3200  }
0xc1: {  	s17 =	simm.s32 @!p0 $0x68;
	s15 =	sshra.s32 @!p0 s15, $0x2;
	[sflag:s5] =	ssyncset.done @!p0 $0x0  }
0xc2: {  	s18 =	simm.s32 @!p0 $0x9600;
	[sflag:s5] =	ssyncadd.s32 @!p0 $0xFFFFCE00;
	s5 =	sadd.s32 @!p0 $0x320, s15  }
0xc3: {  	[tilespmem:s18], [sflag:$0x1] =	stream.indirect.gather @!p0 [hbm4b:s6+s17], $0x40, s5, s17, $0xb8;
	[tilespmem:$0x15E00] =	vst v63  }
0xc4: {  	s5 =	sadd.s32 @!p0 $0x388, s15;
	s17 =	simm.s32 @!p0 $0x60;
	s18 =	simm.s32 @!p0 $0xB000  }
0xc5: {  	[tilespmem:s18], [sflag:$0x1] =	stream.indirect.gather @!p0 [hbm4b:s6+s17], $0x40, s5, s17, $0xb8;
	[tilespmem:$0x15E00] =	vst v63  }
0xc6: {  	_ =	swait.ge [sflag:s25], $0x1A00  }
0xc7: {  	[sflag:s25] =	ssyncset.done $0x0  }
0xc8: {  	[sflag:s25] =	ssyncadd.s32 $0xFFFFE600  }
0xc9: {  	_ =	swait.ge [sflag:s25], $0x1800  }
0xca: {  	[sflag:s25] =	ssyncset.done $0x0  }
0xcb: {  	s17 =	simm.s32 $0x0;
	[sflag:s25] =	ssyncadd.s32 $0xFFFFE800  }
0xcc: {  	v0 =	vld [tilespmem:s17+$0x64F0]  }
0xcd: {  	v1 =	vld [tilespmem:s17+$0x6400]  }
0xce: {  	v2 =	vld [tilespmem:s17+$0x6410]  }
0xcf: {  	v3 =	vld [tilespmem:s17+$0x6420]  }
0xd0: {  	v4 =	vld [tilespmem:s17+$0x6430]  }
0xd1: {  	v5 =	vld [tilespmem:s17+$0x6440]  }
0xd2: {  	v6 =	vld [tilespmem:s17+$0x6450]  }
0xd3: {  	v7 =	vld [tilespmem:s17+$0x6460]  }
0xd4: {  	v8 =	vld [tilespmem:s17+$0x6470]  }
0xd5: {  	v9 =	vld [tilespmem:s17+$0x6480]  }
0xd6: {  	v10 =	vld [tilespmem:s17+$0x6490]  }
0xd7: {  	v11 =	vld [tilespmem:s17+$0x64A0]  }
0xd8: {  	v12 =	vld [tilespmem:s17+$0x64B0]  }
0xd9: {  	v13 =	vld [tilespmem:s17+$0x64C0]  }
0xda: {  	v14 =	vld [tilespmem:s17+$0x64D0]  }
0xdb: {  	[tilespmem:s17+$0xFAF0] =	vst.add.f32.msk $0xffff, v0  }
0xdc: {  	v0 =	vld [tilespmem:s17+$0x64E0]  }
0xdd: {  	[tilespmem:s17+$0xFA00] =	vst.add.f32.msk $0xffff, v1  }
0xde: {  	[tilespmem:s17+$0xFA10] =	vst.add.f32.msk $0xffff, v2  }
0xdf: {  	[tilespmem:s17+$0xFA20] =	vst.add.f32.msk $0xffff, v3  }
0xe0: {  	[tilespmem:s17+$0xFA30] =	vst.add.f32.msk $0xffff, v4  }
0xe1: {  	[tilespmem:s17+$0xFA40] =	vst.add.f32.msk $0xffff, v5  }
0xe2: {  	[tilespmem:s17+$0xFA50] =	vst.add.f32.msk $0xffff, v6  }
0xe3: {  	[tilespmem:s17+$0xFA60] =	vst.add.f32.msk $0xffff, v7  }
0xe4: {  	[tilespmem:s17+$0xFA70] =	vst.add.f32.msk $0xffff, v8  }
0xe5: {  	[tilespmem:s17+$0xFA80] =	vst.add.f32.msk $0xffff, v9  }
0xe6: {  	[tilespmem:s17+$0xFA90] =	vst.add.f32.msk $0xffff, v10  }
0xe7: {  	[tilespmem:s17+$0xFAA0] =	vst.add.f32.msk $0xffff, v11  }
0xe8: {  	[tilespmem:s17+$0xFAB0] =	vst.add.f32.msk $0xffff, v12  }
0xe9: {  	[tilespmem:s17+$0xFAC0] =	vst.add.f32.msk $0xffff, v13  }
0xea: {  	s18 =	simm.s32 $0x0;
	s5 =	simm.s32 $0x400;
	[tilespmem:s17+$0xFAD0] =	vst.add.f32.msk $0xffff, v14  }
.LBB2_7:
0xeb: {  	s18 =	sadd.s32 $0x4, s18;
	[tilespmem:s17+$0xFAE0] =	vst.add.f32.msk $0xffff, v0;
	s17 =	sshra.s32 s5, $0x2  }
0xec: {  	v0 =	vld [tilespmem:s17+$0x64F0];
	p1 =	slt.u32 s18, $0xC4  }
0xed: {  	v1 =	vld [tilespmem:s17+$0x6400]  }
0xee: {  	v2 =	vld [tilespmem:s17+$0x6410]  }
0xef: {  	v3 =	vld [tilespmem:s17+$0x6420]  }
0xf0: {  	v4 =	vld [tilespmem:s17+$0x6430]  }
0xf1: {  	[tilespmem:s17+$0xFAF0] =	vst.add.f32.msk $0xffff, v0  }
0xf2: {  	v5 =	vld [tilespmem:s17+$0x6440]  }
0xf3: {  	v6 =	vld [tilespmem:s17+$0x6450]  }
0xf4: {  	v7 =	vld [tilespmem:s17+$0x6460]  }
0xf5: {  	v8 =	vld [tilespmem:s17+$0x6470]  }
0xf6: {  	v9 =	vld [tilespmem:s17+$0x6480]  }
0xf7: {  	v10 =	vld [tilespmem:s17+$0x6490]  }
0xf8: {  	v11 =	vld [tilespmem:s17+$0x64A0]  }
0xf9: {  	v12 =	vld [tilespmem:s17+$0x64B0]  }
0xfa: {  	v13 =	vld [tilespmem:s17+$0x64C0]  }
0xfb: {  	v14 =	vld [tilespmem:s17+$0x64D0]  }
0xfc: {  	v0 =	vld [tilespmem:s17+$0x64E0]  }
0xfd: {  	[tilespmem:s17+$0xFA00] =	vst.add.f32.msk $0xffff, v1  }
0xfe: {  	[tilespmem:s17+$0xFA10] =	vst.add.f32.msk $0xffff, v2  }
0xff: {  	[tilespmem:s17+$0xFA20] =	vst.add.f32.msk $0xffff, v3  }
0x100: {  	[tilespmem:s17+$0xFA30] =	vst.add.f32.msk $0xffff, v4  }
0x101: {  	[tilespmem:s17+$0xFA40] =	vst.add.f32.msk $0xffff, v5  }
0x102: {  	[tilespmem:s17+$0xFA50] =	vst.add.f32.msk $0xffff, v6  }
0x103: {  	[tilespmem:s17+$0xFA60] =	vst.add.f32.msk $0xffff, v7  }
0x104: {  	[tilespmem:s17+$0xFA70] =	vst.add.f32.msk $0xffff, v8  }
0x105: {  	[tilespmem:s17+$0xFA80] =	vst.add.f32.msk $0xffff, v9  }
.Ltmp2:
0x106: {  	[tilespmem:s17+$0xFA90] =	vst.add.f32.msk $0xffff, v10;
	(pc) =	sbr.rel @p1 .LBB2_7-.Ltmp2, $4  }
0x107: {  	[tilespmem:s17+$0xFAA0] =	vst.add.f32.msk $0xffff, v11  }
0x108: {  	[tilespmem:s17+$0xFAB0] =	vst.add.f32.msk $0xffff, v12  }
0x109: {  	[tilespmem:s17+$0xFAC0] =	vst.add.f32.msk $0xffff, v13  }
0x10a: {  	s5 =	sadd.s32 $0x400, s5;
	[tilespmem:s17+$0xFAD0] =	vst.add.f32.msk $0xffff, v14  }
0x10b: {  	s5 =	sadd.s32 s4, s14  }
0x10c: {  	s5 =	smul.u32 $0x640, s5;
	_ =	sdelay $0x1  }
0x10d: {  	[tilespmem:s17+$0xFAE0] =	vst.add.f32.msk $0xffff, v0;
	s5 =	sadd.s32 s2, s5  }
0x10e: {  	[hbm4b:s5+s3] =	stream.linear.scatter [tilespmem:s19], [sflag:$0x7], $0x3200, $0x38;
	[tilespmem:$0x15E00] =	vst v63  }
0x10f: {  	s5 =	simm.s32 @!p0 $0x6  }
0x110: {  	_ =	swait.ge @!p0 [sflag:s5], $0x3200  }
0x111: {  	s14 =	simm.s32 @!p0 $0x68;
	[sflag:s5] =	ssyncset.done @!p0 $0x0  }
0x112: {  	s17 =	simm.s32 @!p0 $0xC800;
	[sflag:s5] =	ssyncadd.s32 @!p0 $0xFFFFCE00;
	s5 =	sadd.s32 @!p0 $0x3E8, s15  }
0x113: {  	[tilespmem:s17], [sflag:$0x2] =	stream.indirect.gather @!p0 [hbm4b:s6+s14], $0x40, s5, s14, $0xb8;
	[tilespmem:$0x15E00] =	vst v63  }
0x114: {  	s5 =	sadd.s32 @!p0 $0x450, s15;
	s14 =	simm.s32 @!p0 $0x60;
	s15 =	simm.s32 @!p0 $0xE200  }
0x115: {  	[tilespmem:s15], [sflag:$0x2] =	stream.indirect.gather @!p0 [hbm4b:s6+s14], $0x40, s5, s14, $0xb8;
	[tilespmem:$0x15E00] =	vst v63  }
0x116: {  	_ =	swait.ge [sflag:s26], $0x1A00  }
0x117: {  	[sflag:s26] =	ssyncset.done $0x0  }
0x118: {  	[sflag:s26] =	ssyncadd.s32 $0xFFFFE600  }
0x119: {  	_ =	swait.ge [sflag:s26], $0x1800  }
0x11a: {  	[sflag:s26] =	ssyncset.done $0x0  }
0x11b: {  	s14 =	simm.s32 $0x0;
	[sflag:s26] =	ssyncadd.s32 $0xFFFFE800  }
0x11c: {  	v0 =	vld [tilespmem:s14+$0x64F0]  }
0x11d: {  	v1 =	vld [tilespmem:s14+$0x6400]  }
0x11e: {  	v2 =	vld [tilespmem:s14+$0x6410]  }
0x11f: {  	v3 =	vld [tilespmem:s14+$0x6420]  }
0x120: {  	v4 =	vld [tilespmem:s14+$0x6430]  }
0x121: {  	v5 =	vld [tilespmem:s14+$0x6440]  }
0x122: {  	v6 =	vld [tilespmem:s14+$0x6450]  }
0x123: {  	v7 =	vld [tilespmem:s14+$0x6460]  }
0x124: {  	v8 =	vld [tilespmem:s14+$0x6470]  }
0x125: {  	v9 =	vld [tilespmem:s14+$0x6480]  }
0x126: {  	v10 =	vld [tilespmem:s14+$0x6490]  }
0x127: {  	v11 =	vld [tilespmem:s14+$0x64A0]  }
0x128: {  	v12 =	vld [tilespmem:s14+$0x64B0]  }
0x129: {  	v13 =	vld [tilespmem:s14+$0x64C0]  }
0x12a: {  	v14 =	vld [tilespmem:s14+$0x64D0]  }
0x12b: {  	[tilespmem:s14+$0x12CF0] =	vst.add.f32.msk $0xffff, v0  }
0x12c: {  	v0 =	vld [tilespmem:s14+$0x64E0]  }
0x12d: {  	[tilespmem:s14+$0x12C00] =	vst.add.f32.msk $0xffff, v1  }
0x12e: {  	[tilespmem:s14+$0x12C10] =	vst.add.f32.msk $0xffff, v2  }
0x12f: {  	[tilespmem:s14+$0x12C20] =	vst.add.f32.msk $0xffff, v3  }
0x130: {  	[tilespmem:s14+$0x12C30] =	vst.add.f32.msk $0xffff, v4  }
0x131: {  	[tilespmem:s14+$0x12C40] =	vst.add.f32.msk $0xffff, v5  }
0x132: {  	[tilespmem:s14+$0x12C50] =	vst.add.f32.msk $0xffff, v6  }
0x133: {  	[tilespmem:s14+$0x12C60] =	vst.add.f32.msk $0xffff, v7  }
0x134: {  	[tilespmem:s14+$0x12C70] =	vst.add.f32.msk $0xffff, v8  }
0x135: {  	[tilespmem:s14+$0x12C80] =	vst.add.f32.msk $0xffff, v9  }
0x136: {  	[tilespmem:s14+$0x12C90] =	vst.add.f32.msk $0xffff, v10  }
0x137: {  	[tilespmem:s14+$0x12CA0] =	vst.add.f32.msk $0xffff, v11  }
0x138: {  	[tilespmem:s14+$0x12CB0] =	vst.add.f32.msk $0xffff, v12  }
0x139: {  	[tilespmem:s14+$0x12CC0] =	vst.add.f32.msk $0xffff, v13  }
0x13a: {  	s15 =	simm.s32 $0x0;
	s5 =	simm.s32 $0x400;
	[tilespmem:s14+$0x12CD0] =	vst.add.f32.msk $0xffff, v14  }
.LBB2_9:
0x13b: {  	s15 =	sadd.s32 $0x4, s15;
	[tilespmem:s14+$0x12CE0] =	vst.add.f32.msk $0xffff, v0;
	s14 =	sshra.s32 s5, $0x2  }
0x13c: {  	v0 =	vld [tilespmem:s14+$0x64F0];
	p0 =	slt.u32 s15, $0xC4  }
0x13d: {  	v1 =	vld [tilespmem:s14+$0x6400]  }
0x13e: {  	v2 =	vld [tilespmem:s14+$0x6410]  }
0x13f: {  	v3 =	vld [tilespmem:s14+$0x6420]  }
0x140: {  	v4 =	vld [tilespmem:s14+$0x6430]  }
0x141: {  	[tilespmem:s14+$0x12CF0] =	vst.add.f32.msk $0xffff, v0  }
0x142: {  	v5 =	vld [tilespmem:s14+$0x6440]  }
0x143: {  	v6 =	vld [tilespmem:s14+$0x6450]  }
0x144: {  	v7 =	vld [tilespmem:s14+$0x6460]  }
0x145: {  	v8 =	vld [tilespmem:s14+$0x6470]  }
0x146: {  	v9 =	vld [tilespmem:s14+$0x6480]  }
0x147: {  	v10 =	vld [tilespmem:s14+$0x6490]  }
0x148: {  	v11 =	vld [tilespmem:s14+$0x64A0]  }
0x149: {  	v12 =	vld [tilespmem:s14+$0x64B0]  }
0x14a: {  	v13 =	vld [tilespmem:s14+$0x64C0]  }
0x14b: {  	v14 =	vld [tilespmem:s14+$0x64D0]  }
0x14c: {  	v0 =	vld [tilespmem:s14+$0x64E0]  }
0x14d: {  	[tilespmem:s14+$0x12C00] =	vst.add.f32.msk $0xffff, v1  }
0x14e: {  	[tilespmem:s14+$0x12C10] =	vst.add.f32.msk $0xffff, v2  }
0x14f: {  	[tilespmem:s14+$0x12C20] =	vst.add.f32.msk $0xffff, v3  }
0x150: {  	[tilespmem:s14+$0x12C30] =	vst.add.f32.msk $0xffff, v4  }
0x151: {  	[tilespmem:s14+$0x12C40] =	vst.add.f32.msk $0xffff, v5  }
0x152: {  	[tilespmem:s14+$0x12C50] =	vst.add.f32.msk $0xffff, v6  }
0x153: {  	[tilespmem:s14+$0x12C60] =	vst.add.f32.msk $0xffff, v7  }
0x154: {  	[tilespmem:s14+$0x12C70] =	vst.add.f32.msk $0xffff, v8  }
0x155: {  	[tilespmem:s14+$0x12C80] =	vst.add.f32.msk $0xffff, v9  }
.Ltmp3:
0x156: {  	[tilespmem:s14+$0x12C90] =	vst.add.f32.msk $0xffff, v10;
	(pc) =	sbr.rel @p0 .LBB2_9-.Ltmp3, $4  }
0x157: {  	[tilespmem:s14+$0x12CA0] =	vst.add.f32.msk $0xffff, v11  }
0x158: {  	[tilespmem:s14+$0x12CB0] =	vst.add.f32.msk $0xffff, v12  }
0x159: {  	[tilespmem:s14+$0x12CC0] =	vst.add.f32.msk $0xffff, v13  }
0x15a: {  	s5 =	sadd.s32 $0x400, s5;
	[tilespmem:s14+$0x12CD0] =	vst.add.f32.msk $0xffff, v14  }
0x15b: {  	s0 =	sadd.s32 $0x1, s0  }
0x15c: {  	p0 =	sne.s32 s0, $0x20  }
.Ltmp4:
0x15d: {  	s5 =	sadd.s32 s4, s10;
	(pc) =	sbr.rel @p0 .LBB2_2-.Ltmp4, $3  }
0x15e: {  	s5 =	smul.u32 $0x640, s5;
	_ =	sdelay $0x1  }
0x15f: {  	[tilespmem:s14+$0x12CE0] =	vst.add.f32.msk $0xffff, v0;
	s5 =	sadd.s32 s2, s5  }
0x160: {  	[hbm4b:s5+s3] =	stream.linear.scatter [tilespmem:s22], [sflag:$0x8], $0x3200, $0x38;
	[tilespmem:$0x15E00] =	vst v63  }
0x161: {  	_ =	swait.ge [sflag:s28], $0x3200  }
0x162: {  	[sflag:s28] =	ssyncset.done $0x0  }
0x163: {  	[sflag:s28] =	ssyncadd.s32 $0xFFFFCE00  }
0x164: {  	_ =	swait.ge [sflag:s29], $0x3200  }
0x165: {  	[sflag:s29] =	ssyncset.done $0x0  }
0x166: {  	s1 =	sadd.s32 $0x1, s1;
	[sflag:s29] =	ssyncadd.s32 $0xFFFFCE00  }
0x167: {  	p0 =	sne.s32 s1, s8;
	_ =	swait.ge [sflag:s30], $0x3200  }
.Ltmp5:
0x168: {  	[sflag:s30] =	ssyncset.done $0x0;
	(pc) =	sbr.rel @p0 .LBB2_1-.Ltmp5, $4  }
0x169: {  	[sflag:s30] =	ssyncadd.s32 $0xFFFFCE00  }
0x16a: {  	_ =	swait.ge [sflag:s31], $0x3200  }
0x16b: {  	[sflag:s31] =	ssyncset.done $0x0  }
0x16c: {  	[sflag:s31] =	ssyncadd.s32 $0xFFFFCE00  }
0x16d: {  	_ =	sfence.sel $0x180000  }
0x16e: {  	[bflag:$0x0] =	sbarrier.arrive $0xFFFF  }
0x16f: {  	_ =	strace $0x90000047  }
0x170: {  	s0 =	stileid.u32;
	[bflag:$0x2] =	sbarrier.arrive $0xFFFF  }
0x171: {  	p0 =	sne.s32 s0, $0x0;
	s0 =	rddreg [dreg:$0x2]  }
0x172: {  	s0 =	sadd.s32 @!p0 $0x100000, s0  }
0x173: {  	[sflag:s0] =	ssyncadd.tile.s32 @!p0 $0x1;
	_ =	shalt  }
.Lfunc_end2:
_tile_overlayer_lowered:
.L_overlay_start_2:
0x174: {  	(tag) =	ssettag $0x2  }
0x175: {  	s0 =	rddreg [dreg:$0x0];
	s2 =	stileid.u32  }
0x176: {  	s1 =	rddreg [dreg:$0x1];
	p0 =	sne.s32 s2, $0x0  }
0x177: {  	s3 =	rddreg [dreg:$0x2];
	[bflag:$0x3] =	sbarrier.arrive $0xFFFF;
	s2 =	simm.s32 @!p0 $0x1C09  }
0x178: {  	[timem:s3], [sflag:s2] =	dma.local @!p0 [hbm:s0], s1  }
0x179: {  	s0 =	simm.s32 @!p0 $0x9  }
0x17a: {  	_ =	swait.ge @!p0 [sflag:s0], s1  }
0x17b: {  	s1 =	ssub.s32 @!p0 $0x0, s1;
	[sflag:s0] =	ssyncset.done @!p0 $0x0  }
0x17c: {  	[sflag:s0] =	ssyncadd.s32 @!p0 s1  }
0x17d: {  	[bflag:$0x3] =	sbarrier.arrive $0xFFFF  }
0x17e: {  	_ =	shalt  }

// kernel: sparse-core-data-format-call.cloned.1.call-start
scs
called_computation_lowered:
.L_overlay_start_0:
0x0: {  	s2 =	sld [smem:$0x3FD9]  }
0x1: {  	s3 =	sld [smem:$0x3FFE];
	_ =	sdelay $0x1  }
0x2: {  	s1 =	srdreg.scid  }
0x3: {  	s0 =	sand.u32 $0x1, s1  }
0x4: {  	s18 =	sshll.u32 s0, $0xA;
	s2 =	sadd.s32 s3, s2  }
0x5: {  	s2 =	sadd.s32 s2, s18  }
0x6: {  	[smem:$0x3FC5] =	sst s2  }
0x7: {  	_ = 	snop  }
0x8: {  	s2 =	sld [smem:$0x3FD0];
	(tm) =	ssettm $0x1  }
0x9: {  	s19 =	sld [smem:$0x3FFB];
	_ =	sdelay $0x3  }
0xa: {  	_ =	strace s19  }
0xb: {  	s3 =	sld [smem:$0x3FFC];
	_ =	sdelay $0x3  }
0xc: {  	_ =	strace s3  }
0xd: {  	s3 =	sld [smem:$0x3FFD];
	_ =	sdelay $0x3  }
0xe: {  	_ =	strace s3  }
0xf: {  	_ =	strace $0x8FFFFFFF  }
0x10: {  	s20 =	sld [smem:$0x3FDB];
	_ =	sdelay $0x1  }
0x11: {  	s4 =	simm.s32 $_scs_section_size  }
0x12: {  	s5 =	simm.s32 $_size__tile_overlayer_lowered;
	s6 =	simm.s32 $_tile_overlayer_lowered  }
0x13: {  	s23 =	simm.s32 $0x1BFF;
	s22 =	sshll.u32 s6, $0x1;
	s3 =	sadd.s32 s4, s20  }
0x14: {  	s7 =	simm.s32 $0x0;
	s21 =	sshll.u32 s5, $0x1;
	s5 =	sadd.s32 s22, s3  }
0x15: {  	[timem:s7], [sflag:s23] =	dma.local [hbm:s5], s21  }
0x16: {  	_ =	swait.ge [sflag:s23], s21  }
0x17: {  	s4 =	ssub.s32 $0x0, s21;
	[sflag:s23] =	ssyncset.done $0x0  }
0x18: {  	[sflag:s23] =	ssyncadd.s32 s4;
	_ =	sdelay $0x1  }
0x19: {  	s24 =	simm.s32 $0x1B8B  }
0x1a: {  	_ =	swait.ge [sflag:s24], $0x1  }
0x1b: {  	[sflag:s24] =	ssyncset.done $0x0  }
0x1c: {  	s26 =	simm.s32 $0x1B8E;
	s25 =	sld [smem:$0x3FFE];
	[sflag:s24] =	ssyncadd.s32 $0xFFFFFFFF  }
0x1d: {  	s27 =	simm.s32 $execute0_lowered;
	[smem:$0x3FD2] =	sst s26  }
0x1e: {  	s5 =	sshll.u32 s27, $0x1;
	_ =	strace $0x80000049;
	[dreg:$0x1] =	wrdreg $0xFFFFFFFF  }
0x1f: {  	s28 =	simm.s32 $_size_execute0_lowered;
	s3 =	sadd.s32 s3, s5;
	[dreg:$0x0] =	wrdreg $0x0  }
0x20: {  	s5 =	sshll.u32 s28, $0x1;
	[dreg:$0x2] =	wrdreg s3  }
0x21: {  	[dreg:$0x3] =	wrdreg s5  }
0x22: {  	[dreg:$0x4] =	wrdreg $0xC0  }
0x23: {  	_ =	task [dreg:s7], $0x5FFFF  }
0x24: {  	[dreg:$0x1] =	wrdreg $0xFFFFFFFF  }
0x25: {  	[dreg:$0x0] =	wrdreg $0x60  }
0x26: {  	[dreg:$0x2] =	wrdreg s25  }
0x27: {  	[dreg:$0x3] =	wrdreg s2  }
0x28: {  	[dreg:$0x4] =	wrdreg $0x9  }
0x29: {  	_ =	task.clear_ibuf [dreg:s7], $0x5FFFF;
	_ =	strace $0x90000049  }
0x2a: {  	s29 =	simm.s32 $0x9;
	_ =	strace $0x8000004B  }
0x2b: {  	_ =	swait.ge [sflag:s29], $0x1  }
0x2c: {  	[sflag:s29] =	ssyncadd.s32 $0xFFFFFFFF  }
0x2d: {  	_ =	strace $0x9000004B  }
0x2e: {  	_ =	sfence  }
0x2f: {  	s30 =	sld [smem:$0x0];
	_ =	sdelay $0x2  }
0x30: {  	s31 =	sshll.u32 s1, $0xD;
	s1 =	sshrl.u32 s1, $0x2  }
0x31: {  	s3 =	sand.u32 $0x4000, s31;
	s1 =	sadd.s32 s1, s30  }
0x32: {  	s0 =	sor.u32 s3, s0;
	s1 =	sshll.u32 s1, $0x11  }
0x33: {  	s0 =	sor.u32 s1, s0  }
0x34: {  	s0 =	sadd.s32 $0x8F2B, s0  }
0x35: {  	[sflag:s0] =	ssyncadd.remote.s32 $0x1  }
0x36: {  	_ =	sfence.sel $0xFFFF  }
0x37: {  	[dreg:$0x0] =	wrdreg $0xFFFFFFFF;
	(pc) =	sbr.abs _section_cstart, $3  }
0x38: {  	[dreg:$0x1] =	wrdreg $0xFFFFFFFF  }
0x39: {  	_ =	task.clear_ibuf [dreg:s7], $0x2FFFF;
	_ =	strace $0x9FFFFFFF  }
0x3a: {  	(tm) =	ssettm $0x7FFFFFFF  }
0x3b: {  	_ =	shalt  }
tec
execute0_lowered:
.L_overlay_start_1:
0x0: {  	(tag) =	ssettag $0x1  }
0x1: {  	s0 =	srdreg.scid  }
0x2: {  	s1 =	sshll.u32 s0, $0x4  }
0x3: {  	s0 =	stileid.u32;
	s1 =	sand.u32 $0x10, s1  }
0x4: {  	s1 =	sor.u32 s0, s1  }
0x5: {  	s6 =	rddreg [dreg:$0x0];
	s4 =	simm.s32 $0x1;
	s2 =	sshll.u32 s1, $0x7  }
0x6: {  	s7 =	simm.s32 $0x2;
	s12 =	simm.s32 $0x0;
	s1 =	ssub.s32 $0x1000, s2  }
0x7: {  	s8 =	simm.s32 $0x8000;
	s13 =	simm.s32 $0x0;
	s3 =	sand.u32 $0xF80, s1  }
0x8: {  	s9 =	simm.s32 $0x0;
	s5 =	sshrl.u32 s1, $0xC;
	p0 =	sne.s32 s3, $0x0  }
.Ltmp0:
0x9: {  	s1 =	rddreg [dreg:$0x2];
	s4 =	simm.s32 @!p0 $0x0;
	(pc) =	sbr.rel .LBB1_1-.Ltmp0, $4  }
0xa: {  	s11 =	simm.s32 $0x0;
	s3 =	rddreg [dreg:$0x1];
	s5 =	sadd.s32 s4, s5  }
0xb: {  	_ =	strace $0x8000004A;
	s4 =	simm.s32 $0x1;
	s5 =	smul.u32 $0xC8, s5  }
0xc: {  	s6 =	sadd.s32 $0xC00, s6;
	s10 =	smov.u32 s2;
	[sflag:s4] =	ssyncpa.u1 $0x0  }
0xd: {  	p0 =	por $0x0, $0x0;
	[sflag:s7] =	ssyncpa.u1 $0x0;
	s7 =	sor.u32 $0x1, s5  }
.LBB1_4:
0xe: {  	s16 =	sshll.u32 s13, $0x3;
	s17 =	sand.u32 $0x78, s13  }
0xf: {  	s30 =	sand.u32 $0x7E00, s13;
	s12 =	sshll.u32 s12, $0xF;
	s16 =	sand.u32 $0xC00, s16  }
0x10: {  	[tilespmem:s15+$0x810 ss:$0x81] =	vst.msk $0xffff, v2;
	s31 =	sand.u32 $0x7, s13;
	s16 =	sor.u32 s17, s16;
	s17 =	sadd.s32 s3, s30  }
0x11: {  	[tilespmem:s15+$0x1020 ss:$0x81] =	vst.msk $0xffff, v0;
	s13 =	sshll.u32 s31, $0x12;
	s12 =	sadd.s32 s12, s17;
	s16 =	sshrl.u32 s16, $0x3  }
0x12: {  	[tilespmem:s15+$0x0 ss:$0x81] =	vst.msk $0xffff, v1;
	s13 =	sor.u32 $0x400, s13;
	s12 =	sadd.s32 s16, s12  }
0x13: {  	[hbm4b:s12+s13] =	stream.strided.scatter [tilespmem:s14], [sflag:$0x2], $0x2000, s8, s13, $0x20;
	[tilespmem:$0x8080] =	vst v63  }
.LBB1_5:
0x14: {  	s14 =	sadd.s32 $0x1, s9  }
0x15: {  	s12 =	sadd.s32 $0x1000, s10;
	s16 =	smov.u32 s10;
	p2 =	sgt.s32 s14, $0xC7  }
0x16: {  	s16 =	smov.u32 @p2 s12  }
0x17: {  	s14 =	simm.s32 @p2 $0x0;
	p2 =	sgt.s32 s16, $0xFFF  }
0x18: {  	s16 =	smov.u32 @p2 s2;
	p2 =	sne.s32 s11, s7  }
.Ltmp1:
0x19: {  	p1 =	slt.u32 s11, $0x2;
	(pc) =	sbr.rel @!p2 .LBB1_6-.Ltmp1, $4  }
0x1a: {  	s15 =	simm.s32 @!p1 $0x2  }
0x1b: {  	s13 =	smov.u32 s10;
	p0 =	por !p0, !p0;
	_ =	swait.ge @!p1 [sflag:s15], $0x2000  }
0x1c: {  	s12 =	smov.u32 s9;
	[sflag:s15] =	ssyncset.done @!p1 $0x0;
	s9 =	smov.u32 s14  }
0x1d: {  	s11 =	sadd.s32 $0x1, s11;
	[sflag:s15] =	ssyncadd.s32 @!p1 $0xFFFFE000;
	s10 =	smov.u32 s16  }
.LBB1_1:
0x1e: {  	p1 =	sge.u32 s11, s5  }
0x1f: {  	s14 =	sand.u32 @!p1 $0x1FFFFFF, s9  }
0x20: {  	s15 =	smulhi.u32 @!p1 $0x147AE15, s14;
	_ =	sdelay $0x1  }
0x21: {  	s15 =	smul.u32 @!p1 $0xC8, s15  }
0x22: {  	s16 =	sxor.u32 @!p1 $0xFFFFFFFF, s11;
	s17 =	smul.u32 @!p1 $0xC80, s10  }
0x23: {  	s31 =	sadd.s32 $0xFFFFFFFF, s11;
	s16 =	sshll.u32 @!p1 s16, $0xD;
	s14 =	ssub.s32 @!p1 s14, s15  }
0x24: {  	s15 =	sand.u32 @!p1 $0x2000, s16;
	s16 =	sadd.s32 @!p1 s6, s17;
	s14 =	sshll.u32 @!p1 s14, $0x4  }
0x25: {  	s17 =	simm.s32 @!p1 $0x6400;
	s14 =	sadd.s32 @!p1 s14, s16;
	s16 =	simm.s32 @!p1 $0x40  }
0x26: {  	[tilespmem:s15], [sflag:$0x1] =	stream.strided.gather @!p1 [hbm4b:s14+s16], $0x2000, s17, s16, $0x38;
	[tilespmem:$0x8080] =	vst v63  }
0x27: {  	p1 =	sge.u32 s31, s5  }
.Ltmp2:
0x28: {  	_ = 	snop;
	(pc) =	sbr.rel @p1 .LBB1_5-.Ltmp2, $1  }
0x29: {  	_ =	sdelay $0x3  }
0x2a: {  	s14 =	simm.s32 $0x1  }
0x2b: {  	_ =	swait.ge [sflag:s4], $0x2000;
	s14 =	simm.s32 @!p0 $0x0  }
0x2c: {  	[sflag:s4] =	ssyncset.done $0x0;
	s15 =	sshll.u32 s14, $0xD  }
0x2d: {  	[sflag:s4] =	ssyncadd.s32 $0xFFFFE000;
	s18 =	sor.u32 $0x20, s15  }
0x2e: {  	s14 =	smul.u32 $0x8100, s14;
	v3 =	vld [tilespmem:s18+$0x10]  }
0x2f: {  	s30 =	sand.u32 $0x1, s11;
	v2 =	vld [tilespmem:s18+$0xFFFFFFF0]  }
0x30: {  	s15 =	smul.u32 $0x8100, s30;
	s14 =	sshrl.u32 s14, $0x2;
	v0 =	vld [tilespmem:s18+$0x0]  }
0x31: {  	v1 =	vld [tilespmem:s18+$0xFFFFFFE0];
	s16 =	sor.u32 $0x4000, s14  }
0x32: {  	s31 =	sshrl.u32 s15, $0x2;
	s15 =	sadd.s32 $0x0, s16  }
0x33: {  	s17 =	simm.s32 $0x4;
	s18 =	sadd.s32 $0x40, s18;
	s14 =	sor.u32 $0x4000, s31;
	[tilespmem:s15+$0x1830 ss:$0x81] =	vst.msk $0xffff, v3  }
.LBB1_3:
0x34: {  	v3 =	vld [tilespmem:s18+$0x10];
	p1 =	sne.s32 s17, $0x1FC;
	[tilespmem:s15+$0x810 ss:$0x81] =	vst.msk $0xffff, v2;
	s19 =	smov.u32 s17;
	s17 =	sadd.s32 $0x4, s17  }
.Ltmp3:
0x35: {  	v2 =	vld [tilespmem:s18+$0xFFFFFFF0];
	[tilespmem:s15+$0x1020 ss:$0x81] =	vst.msk $0xffff, v0;
	(pc) =	sbr.rel @p1 .LBB1_3-.Ltmp3, $4  }
0x36: {  	v0 =	vld [tilespmem:s18+$0x0];
	[tilespmem:s15+$0x0 ss:$0x81] =	vst.msk $0xffff, v1  }
0x37: {  	s15 =	sshra.s32 s19, $0x2;
	v1 =	vld [tilespmem:s18+$0xFFFFFFE0]  }
0x38: {  	s15 =	sadd.s32 s15, s16  }
0x39: {  	s18 =	sadd.s32 $0x40, s18;
	[tilespmem:s15+$0x1830 ss:$0x81] =	vst.msk $0xffff, v3  }
.Ltmp4:
0x3a: {  	_ = 	snop;
	(pc) =	sbr.rel .LBB1_4-.Ltmp4, $1  }
0x3b: {  	_ =	sdelay $0x3  }
.LBB1_6:
0x3c: {  	_ =	sfence.sel $0x180000  }
0x3d: {  	s2 =	simm.s32 $0x1;
	[bflag:$0x0] =	sbarrier.arrive $0xFFFF  }
0x3e: {  	s31 =	simm.s32 $0x2;
	[sflag:s2] =	ssyncpa.u1 $0x1  }
0x3f: {  	[sflag:s31] =	ssyncpa.u1 $0x1  }
0x40: {  	p0 =	sne.s32 s0, $0x0;
	_ =	strace $0x9000004A  }
0x41: {  	s0 =	sadd.s32 @!p0 $0x100000, s1;
	[bflag:$0x2] =	sbarrier.arrive $0xFFFF  }
0x42: {  	[sflag:s0] =	ssyncadd.tile.s32 @!p0 $0x1;
	_ =	shalt  }
.Lfunc_end1:
_tile_overlayer_lowered:
.L_overlay_start_2:
0x43: {  	(tag) =	ssettag $0x2  }
0x44: {  	s0 =	rddreg [dreg:$0x0];
	s2 =	stileid.u32  }
0x45: {  	s1 =	rddreg [dreg:$0x1];
	p0 =	sne.s32 s2, $0x0  }
0x46: {  	s3 =	rddreg [dreg:$0x2];
	[bflag:$0x3] =	sbarrier.arrive $0xFFFF;
	s2 =	simm.s32 @!p0 $0x1C01  }
0x47: {  	[timem:s3], [sflag:s2] =	dma.local @!p0 [hbm:s0], s1  }
0x48: {  	s0 =	simm.s32 @!p0 $0x1  }
0x49: {  	_ =	swait.ge @!p0 [sflag:s0], s1  }
0x4a: {  	s1 =	ssub.s32 @!p0 $0x0, s1;
	[sflag:s0] =	ssyncset.done @!p0 $0x0  }
0x4b: {  	[sflag:s0] =	ssyncadd.s32 @!p0 s1  }
0x4c: {  	[bflag:$0x3] =	sbarrier.arrive $0xFFFF  }
0x4d: {  	_ =	shalt  }

</sc_bundles>
